<compile_context>
chip_gen: v7x
topology: tpu7x:2x2x1
jax: 0.10.2.dev20260603
libtpu: 0.0.44.dev20260713+nightly
codegen_flags: <defaults>
</compile_context>

<pallas_src>
import functools

import jax
import jax.numpy as jnp
from jax import lax
from jax.experimental import pallas as pl
from jax.experimental.pallas import tpu as pltpu
from jax.experimental.pallas import tpu_sc as plsc

N_NODES = 10000
N_EDGES = 320000
D = 128

NC = 2
NS = 16
NW = NC * NS
FPW = D // NW
CE = 6400
NCHUNK = N_EDGES // CE
GROUPS = CE // 16
L = 16


U = 4


def _make_segsum(with_count):
    mesh = plsc.VectorSubcoreMesh(core_axis_name="c", subcore_axis_name="s")
    out_type = [jax.ShapeDtypeStruct((D * N_NODES,), jnp.float32)]
    SLICE = FPW * N_NODES
    scratch = [
        pltpu.VMEM((SLICE,), jnp.float32),
        pltpu.VMEM((SLICE,), jnp.float32),
        pltpu.VMEM((CE,), jnp.int32),
        pltpu.VMEM((CE,), jnp.int32),
        pltpu.VMEM((CE,), jnp.int32),
        pltpu.VMEM((CE,), jnp.int32),
        pltpu.SemaphoreType.DMA,
        pltpu.SemaphoreType.DMA,
        pltpu.SemaphoreType.DMA,
        pltpu.SemaphoreType.DMA,
    ]
    if with_count:
        out_type.append(jax.ShapeDtypeStruct((NW, N_NODES), jnp.float32))
        scratch.append(pltpu.VMEM((N_NODES,), jnp.float32))
        scratch.append(pltpu.VMEM((N_EDGES // NW,), jnp.int32))

    def body(xT, src, dst, *refs):
        if with_count:
            (sum_out, cnt_out, tab, acc, srcb0, dstb0, srcb1, dstb1,
             ss0, sd0, ss1, sd1, cntb, idxb) = refs
        else:
            (sum_out, tab, acc, srcb0, dstb0, srcb1, dstb1,
             ss0, sd0, ss1, sd1) = refs
        bufs = ((srcb0, dstb0, ss0, sd0), (srcb1, dstb1, ss1, sd1))
        wid = lax.axis_index("s") * NC + lax.axis_index("c")

        CP = CE

        def start(e, sb, db, ssem, dsem):
            pltpu.make_async_copy(src.at[pl.ds(e * CP, CP)], sb, ssem).start()
            pltpu.make_async_copy(dst.at[pl.ds(e * CP, CP)], db, dsem).start()

        def wait(sb, db, ssem, dsem):
            pltpu.make_async_copy(src.at[pl.ds(0, CP)], sb, ssem).wait()
            pltpu.make_async_copy(dst.at[pl.ds(0, CP)], db, dsem).wait()

        pltpu.sync_copy(xT.at[pl.ds(wid * SLICE, SLICE)], tab)

        zero = jnp.zeros((L,), jnp.float32)

        ZU = 5

        def zbody(i, carry):
            for j in range(ZU):
                acc[pl.ds(i * (L * ZU) + j * L, L)] = zero
            return carry

        lax.fori_loop(0, SLICE // (L * ZU), zbody, 0)

        if with_count:
            def zc(i, carry):
                for j in range(ZU):
                    cntb[pl.ds(i * (L * ZU) + j * L, L)] = zero
                return carry
            lax.fori_loop(0, N_NODES // (L * ZU), zc, 0)

        ones16 = jnp.full((L,), 1.0, jnp.float32)

        def process(sb, db):
            def grp(g):
                base = g * (L * U)
                svecs = [sb[pl.ds(base + u * L, L)] for u in range(U)]
                dvecs = [db[pl.ds(base + u * L, L)] for u in range(U)]
                vals = [plsc.load_gather(tab, [svecs[u] + (c * N_NODES)])
                        for u in range(U) for c in range(FPW)]
                i = 0
                for u in range(U):
                    for c in range(FPW):
                        plsc.addupdate_scatter(
                            acc, [dvecs[u] + (c * N_NODES)], vals[i])
                        i += 1
            plsc.parallel_loop(0, GROUPS // U)(grp)

        start(0, *bufs[0])
        start(1, *bufs[1])

        def chunk_body(k, carry):
            for b in range(2):
                e = k * 2 + b
                sb, db, ssem, dsem = bufs[b]
                wait(sb, db, ssem, dsem)
                process(sb, db)

                @pl.when(e + 2 < NCHUNK)
                def _():
                    start(e + 2, sb, db, ssem, dsem)
            return carry

        lax.fori_loop(0, NCHUNK // 2, chunk_body, 0)

        pltpu.sync_copy(acc, sum_out.at[pl.ds(wid * SLICE, SLICE)])
        if with_count:
            SHARD = N_EDGES // NW
            CU = 5
            pltpu.sync_copy(dst.at[pl.ds(wid * SHARD, SHARD)], idxb)

            @plsc.parallel_loop(0, SHARD // (L * CU))
            def _(g):
                for j in range(CU):
                    dv = idxb[pl.ds(g * (L * CU) + j * L, L)]
                    plsc.addupdate_scatter(cntb, [dv], ones16)

            pltpu.sync_copy(cntb, cnt_out.at[wid])

    return functools.partial(
        pl.kernel, mesh=mesh, out_type=out_type, scratch_types=scratch,
        compiler_params=pltpu.CompilerParams(needs_layout_passes=False),
    )(body)


NB = 1024
GRID = (N_NODES + NB - 1) // NB


def _transpose(x):
    def tbody(x_ref, o_ref):
        o_ref[...] = x_ref[...].T

    return pl.pallas_call(
        tbody,
        grid=(GRID,),
        in_specs=[pl.BlockSpec((NB, D), lambda i: (i, 0))],
        out_specs=pl.BlockSpec((D, NB), lambda i: (0, i)),
        out_shape=jax.ShapeDtypeStruct((D, N_NODES), jnp.float32),
    )(x)


def _layer(sumT, cnt, hT, Wl, Wr, b, relu, transpose_out):
    cnt_rows = cnt.shape[0]

    def lbody(s_ref, c_ref, h_ref, wl_ref, wr_ref, b_ref, *o_refs):
        if cnt_rows > 1:
            inv = 1.0 / jnp.maximum(
                jnp.sum(c_ref[...], axis=0, keepdims=True), 1.0)
        else:
            inv = c_ref[...]
        mean = s_ref[...] * inv
        acc = jnp.dot(wl_ref[...], mean, preferred_element_type=jnp.float32)
        acc = acc + jnp.dot(wr_ref[...], h_ref[...],
                            preferred_element_type=jnp.float32)
        acc = acc + b_ref[...]
        if relu:
            acc = jnp.maximum(acc, 0.0)
        o_refs[0][...] = acc.T if transpose_out else acc
        if cnt_rows > 1:
            o_refs[1][...] = inv

    out_shape = [jax.ShapeDtypeStruct(
        (N_NODES, D) if transpose_out else (D, N_NODES), jnp.float32)]
    out_specs = [pl.BlockSpec((NB, D), lambda i: (i, 0)) if transpose_out
                 else pl.BlockSpec((D, NB), lambda i: (0, i))]
    if cnt_rows > 1:
        out_shape.append(jax.ShapeDtypeStruct((1, N_NODES), jnp.float32))
        out_specs.append(pl.BlockSpec((1, NB), lambda i: (0, i)))
    return pl.pallas_call(
        lbody,
        grid=(GRID,),
        in_specs=[
            pl.BlockSpec((D, NB), lambda i: (0, i)),
            pl.BlockSpec((cnt_rows, NB), lambda i: (0, i)),
            pl.BlockSpec((D, NB), lambda i: (0, i)),
            pl.BlockSpec((D, D), lambda i: (0, 0)),
            pl.BlockSpec((D, D), lambda i: (0, 0)),
            pl.BlockSpec((D, 1), lambda i: (0, 0)),
        ],
        out_specs=out_specs,
        out_shape=out_shape,
    )(sumT, cnt, hT, Wl, Wr, b)


_segsum_with_cnt = _make_segsum(True)
_segsum = _make_segsum(False)


def kernel(x, edge_index, W1_l, W1_r, b1, W2_l, W2_r, b2):
    src = edge_index[0].astype(jnp.int32)
    dst = edge_index[1].astype(jnp.int32)
    xT = _transpose(x)
    sum1T, cnt = _segsum_with_cnt(xT.reshape(-1), src, dst)
    sum1T = sum1T.reshape(D, N_NODES)
    hT, inv = _layer(sum1T, cnt, xT, W1_l, W1_r, b1.reshape(D, 1),
                     relu=True, transpose_out=False)
    (sum2T,) = _segsum(hT.reshape(-1), src, dst)
    sum2T = sum2T.reshape(D, N_NODES)
    out, = _layer(sum2T, inv, hT, W2_l, W2_r, b2.reshape(D, 1),
                  relu=False, transpose_out=True)
    return out

# --- scband reference (transcript-rebuilt; emitter-appended) ---
"""Pipeline reference for scband-gnnencoder-11957188952733 (READ-ONLY COPY).

The authoritative reference and input builder live on the scoring server;
editing this copy changes nothing except your own understanding.
"""

import jax, jax.numpy as jnp
import numpy as np

N_NODES = 10000
N_EDGES = 320000
D_IN = 128
D_HID = 128
D_OUT = 128


def setup_inputs(seed: int = 0) -> dict:
    key = jax.random.key(seed)
    k_x, k_e, k1, k2, k3, k4 = jax.random.split(key, 6)
    x = jax.random.normal(k_x, (N_NODES, D_IN), dtype=jnp.float32)
    edge_index = jax.random.randint(k_e, (2, N_EDGES), 0, N_NODES, dtype=jnp.int64)
    s1 = 1.0 / np.sqrt(D_IN)
    s2 = 1.0 / np.sqrt(D_HID)
    W1_l = jax.random.uniform(k1, (D_HID, D_IN), dtype=jnp.float32, minval=-s1, maxval=s1)
    W1_r = jax.random.uniform(k2, (D_HID, D_IN), dtype=jnp.float32, minval=-s1, maxval=s1)
    b1 = jnp.zeros((D_HID,), dtype=jnp.float32)
    W2_l = jax.random.uniform(k3, (D_OUT, D_HID), dtype=jnp.float32, minval=-s2, maxval=s2)
    W2_r = jax.random.uniform(k4, (D_OUT, D_HID), dtype=jnp.float32, minval=-s2, maxval=s2)
    b2 = jnp.zeros((D_OUT,), dtype=jnp.float32)
    return {"x": x, "edge_index": edge_index, "W1_l": W1_l, "W1_r": W1_r, "b1": b1,
            "W2_l": W2_l, "W2_r": W2_r, "b2": b2}


def _sage_conv(x, src, dst, W_l, W_r, b):
    # messages = x[src]; mean-aggregate into dst nodes (PyG SAGEConv, aggr='mean')
    msg = jnp.take(x, src, axis=0)
    summed = jax.ops.segment_sum(msg, dst, num_segments=N_NODES)
    cnt = jax.ops.segment_sum(jnp.ones((src.shape[0],), dtype=x.dtype), dst, num_segments=N_NODES)
    mean = summed / jnp.clip(cnt, 1.0, None)[:, None]
    # out = lin_l(aggr) + lin_r(x) + bias
    return mean @ W_l.T + x @ W_r.T + b


def reference(x, edge_index, W1_l, W1_r, b1, W2_l, W2_r, b2):
    src = edge_index[0]
    dst = edge_index[1]
    h = _sage_conv(x, src, dst, W1_l, W1_r, b1)
    h = jax.nn.relu(h)
    out = _sage_conv(h, src, dst, W2_l, W2_r, b2)
    return out

if __name__ == "__main__":
    import jax
    _d = setup_inputs()
    print(jax.jit(kernel)(*tuple(_d.values())))

</pallas_src>

<mosaic_0001>
#map = affine_map<(d0, d1) -> (0)>
module attributes {stable_mosaic.version = 14 : i64} {
  func.func @body(%arg0: i32, %arg1: i32, %arg2: memref<1280000xf32, #tpu.memory_space<hbm>>, %arg3: memref<320000xi32, #tpu.memory_space<hbm>>, %arg4: memref<320000xi32, #tpu.memory_space<hbm>>, %arg5: memref<1280000xf32, #tpu.memory_space<hbm>>, %arg6: memref<40000xf32, #tpu.memory_space<vmem>>, %arg7: memref<40000xf32, #tpu.memory_space<vmem>>, %arg8: memref<6400xi32, #tpu.memory_space<vmem>>, %arg9: memref<6400xi32, #tpu.memory_space<vmem>>, %arg10: memref<6400xi32, #tpu.memory_space<vmem>>, %arg11: memref<6400xi32, #tpu.memory_space<vmem>>, %arg12: memref<!tpu.dma_semaphore, #tpu.memory_space<semaphore_mem>>, %arg13: memref<!tpu.dma_semaphore, #tpu.memory_space<semaphore_mem>>, %arg14: memref<!tpu.dma_semaphore, #tpu.memory_space<semaphore_mem>>, %arg15: memref<!tpu.dma_semaphore, #tpu.memory_space<semaphore_mem>>) attributes {dimension_semantics = [#tpu.dimension_semantics<core_parallel>, #tpu.dimension_semantics<subcore_parallel>], iteration_bounds = array<i64: 2, 16>, scalar_prefetch = 0 : i64, scratch_operands = 10 : i64, tpu.core_type = #tpu.core_type<sc_vector_subcore>, window_params = [{transform_indices = #map}, {transform_indices = #map}, {transform_indices = #map}, {transform_indices = #map}]} {
    %mul3A = arith.constant 2 : i32
    %mul3A_0 = arith.muli %arg1, %mul3A : i32
    %add3A = arith.addi %mul3A_0, %arg0 : i32
    %mul3A_1 = arith.constant 40000 : i32
    %mul3A_2 = arith.muli %add3A, %mul3A_1 : i32
    "tpu.region"() ({
      %run_scoped3A = tpu.sem_alloc : memref<!tpu.dma_semaphore, #tpu.memory_space<semaphore_mem>>
      %dma_start3A_34 = tpu.memref_slice %arg2[%mul3A_2] : memref<1280000xf32, #tpu.memory_space<hbm>> -> memref<40000xf32, #tpu.memory_space<hbm>>
      %dma_start3A_35 = tpu.memref_slice %arg2[%mul3A_2] : memref<1280000xf32, #tpu.memory_space<hbm>> -> memref<40000xf32, #tpu.memory_space<hbm>>
      tpu.enqueue_dma source(%dma_start3A_35 : memref<40000xf32, #tpu.memory_space<hbm>>) target(%arg6 : memref<40000xf32, #tpu.memory_space<vmem>>) target_semaphore(%run_scoped3A : memref<!tpu.dma_semaphore, #tpu.memory_space<semaphore_mem>>)
      %dma_wait3A = tpu.memref_slice %arg2[%mul3A_2] : memref<1280000xf32, #tpu.memory_space<hbm>> -> memref<40000xf32, #tpu.memory_space<hbm>>
      %dma_wait3A_36 = tpu.memref_slice %arg2[%mul3A_2] : memref<1280000xf32, #tpu.memory_space<hbm>> -> memref<40000xf32, #tpu.memory_space<hbm>>
      tpu.wait_dma2 semaphore(%run_scoped3A : memref<!tpu.dma_semaphore, #tpu.memory_space<semaphore_mem>>) src(%dma_wait3A_36 : memref<40000xf32, #tpu.memory_space<hbm>>) dst(%arg6 : memref<40000xf32, #tpu.memory_space<vmem>>)
      tpu.yield
    }) : () -> ()
    %broadcast_in_dim3A = arith.constant 0.000000e+00 : f32
    %broadcast_in_dim3A_3 = vector.broadcast %broadcast_in_dim3A : f32 to vector<16xf32>
    %scan3A = arith.constant 0 : i32
    %scan3A_4 = arith.constant 0 : i32
    %scan3A_5 = arith.constant 500 : i32
    %scan3A_6 = arith.addi %scan3A_4, %scan3A_5 : i32
    %scan3A_7 = arith.constant 1 : i32
    scf.for %scan3A_34 = %scan3A_4 to %scan3A_6 step %scan3A_7  : i32 {
      %mul3A_35 = arith.constant 80 : i32
      %mul3A_36 = arith.muli %scan3A_34, %mul3A_35 : i32
      %add3A_37 = arith.constant 0 : i32
      %add3A_38 = arith.addi %mul3A_36, %add3A_37 : i32
      %swap3A = arith.index_cast %add3A_38 : i32 to index
      %swap3A_39 = tpu.vector_load %arg7[%swap3A] {strides = array<i32>} : memref<40000xf32, #tpu.memory_space<vmem>>, vector<16xf32>,
      tpu.vector_store %arg7[%swap3A], %broadcast_in_dim3A_3 {strides = array<i32>} : memref<40000xf32, #tpu.memory_space<vmem>>, vector<16xf32>,
      %mul3A_40 = arith.constant 80 : i32
      %mul3A_41 = arith.muli %scan3A_34, %mul3A_40 : i32
      %add3A_42 = arith.constant 16 : i32
      %add3A_43 = arith.addi %mul3A_41, %add3A_42 : i32
      %swap3A_44 = arith.index_cast %add3A_43 : i32 to index
      %swap3A_45 = tpu.vector_load %arg7[%swap3A_44] {strides = array<i32>} : memref<40000xf32, #tpu.memory_space<vmem>>, vector<16xf32>,
      tpu.vector_store %arg7[%swap3A_44], %broadcast_in_dim3A_3 {strides = array<i32>} : memref<40000xf32, #tpu.memory_space<vmem>>, vector<16xf32>,
      %mul3A_46 = arith.constant 80 : i32
      %mul3A_47 = arith.muli %scan3A_34, %mul3A_46 : i32
      %add3A_48 = arith.constant 32 : i32
      %add3A_49 = arith.addi %mul3A_47, %add3A_48 : i32
      %swap3A_50 = arith.index_cast %add3A_49 : i32 to index
      %swap3A_51 = tpu.vector_load %arg7[%swap3A_50] {strides = array<i32>} : memref<40000xf32, #tpu.memory_space<vmem>>, vector<16xf32>,
      tpu.vector_store %arg7[%swap3A_50], %broadcast_in_dim3A_3 {strides = array<i32>} : memref<40000xf32, #tpu.memory_space<vmem>>, vector<16xf32>,
      %mul3A_52 = arith.constant 80 : i32
      %mul3A_53 = arith.muli %scan3A_34, %mul3A_52 : i32
      %add3A_54 = arith.constant 48 : i32
      %add3A_55 = arith.addi %mul3A_53, %add3A_54 : i32
      %swap3A_56 = arith.index_cast %add3A_55 : i32 to index
      %swap3A_57 = tpu.vector_load %arg7[%swap3A_56] {strides = array<i32>} : memref<40000xf32, #tpu.memory_space<vmem>>, vector<16xf32>,
      tpu.vector_store %arg7[%swap3A_56], %broadcast_in_dim3A_3 {strides = array<i32>} : memref<40000xf32, #tpu.memory_space<vmem>>, vector<16xf32>,
      %mul3A_58 = arith.constant 80 : i32
      %mul3A_59 = arith.muli %scan3A_34, %mul3A_58 : i32
      %add3A_60 = arith.constant 64 : i32
      %add3A_61 = arith.addi %mul3A_59, %add3A_60 : i32
      %swap3A_62 = arith.index_cast %add3A_61 : i32 to index
      %swap3A_63 = tpu.vector_load %arg7[%swap3A_62] {strides = array<i32>} : memref<40000xf32, #tpu.memory_space<vmem>>, vector<16xf32>,
      tpu.vector_store %arg7[%swap3A_62], %broadcast_in_dim3A_3 {strides = array<i32>} : memref<40000xf32, #tpu.memory_space<vmem>>, vector<16xf32>,
    }
    %scan3A_8 = arith.constant 500 : i32
    %broadcast_in_dim3A_9 = arith.constant 1.000000e+00 : f32
    %broadcast_in_dim3A_10 = vector.broadcast %broadcast_in_dim3A_9 : f32 to vector<16xf32>
    %dma_start3A = arith.constant 0 : i32
    %dma_start3A_11 = tpu.memref_slice %arg3[%dma_start3A] : memref<320000xi32, #tpu.memory_space<hbm>> -> memref<6400xi32, #tpu.memory_space<hbm>>
    %dma_start3A_12 = arith.constant 0 : i32
    %dma_start3A_13 = tpu.memref_slice %arg3[%dma_start3A_12] : memref<320000xi32, #tpu.memory_space<hbm>> -> memref<6400xi32, #tpu.memory_space<hbm>>
    tpu.enqueue_dma source(%dma_start3A_13 : memref<6400xi32, #tpu.memory_space<hbm>>) target(%arg8 : memref<6400xi32, #tpu.memory_space<vmem>>) target_semaphore(%arg12 : memref<!tpu.dma_semaphore, #tpu.memory_space<semaphore_mem>>)
    %dma_start3A_14 = arith.constant 0 : i32
    %dma_start3A_15 = tpu.memref_slice %arg4[%dma_start3A_14] : memref<320000xi32, #tpu.memory_space<hbm>> -> memref<6400xi32, #tpu.memory_space<hbm>>
    %dma_start3A_16 = arith.constant 0 : i32
    %dma_start3A_17 = tpu.memref_slice %arg4[%dma_start3A_16] : memref<320000xi32, #tpu.memory_space<hbm>> -> memref<6400xi32, #tpu.memory_space<hbm>>
    tpu.enqueue_dma source(%dma_start3A_17 : memref<6400xi32, #tpu.memory_space<hbm>>) target(%arg9 : memref<6400xi32, #tpu.memory_space<vmem>>) target_semaphore(%arg13 : memref<!tpu.dma_semaphore, #tpu.memory_space<semaphore_mem>>)
    %dma_start3A_18 = arith.constant 6400 : i32
    %dma_start3A_19 = tpu.memref_slice %arg3[%dma_start3A_18] : memref<320000xi32, #tpu.memory_space<hbm>> -> memref<6400xi32, #tpu.memory_space<hbm>>
    %dma_start3A_20 = arith.constant 6400 : i32
    %dma_start3A_21 = tpu.memref_slice %arg3[%dma_start3A_20] : memref<320000xi32, #tpu.memory_space<hbm>> -> memref<6400xi32, #tpu.memory_space<hbm>>
    tpu.enqueue_dma source(%dma_start3A_21 : memref<6400xi32, #tpu.memory_space<hbm>>) target(%arg10 : memref<6400xi32, #tpu.memory_space<vmem>>) target_semaphore(%arg14 : memref<!tpu.dma_semaphore, #tpu.memory_space<semaphore_mem>>)
    %dma_start3A_22 = arith.constant 6400 : i32
    %dma_start3A_23 = tpu.memref_slice %arg4[%dma_start3A_22] : memref<320000xi32, #tpu.memory_space<hbm>> -> memref<6400xi32, #tpu.memory_space<hbm>>
    %dma_start3A_24 = arith.constant 6400 : i32
    %dma_start3A_25 = tpu.memref_slice %arg4[%dma_start3A_24] : memref<320000xi32, #tpu.memory_space<hbm>> -> memref<6400xi32, #tpu.memory_space<hbm>>
    tpu.enqueue_dma source(%dma_start3A_25 : memref<6400xi32, #tpu.memory_space<hbm>>) target(%arg11 : memref<6400xi32, #tpu.memory_space<vmem>>) target_semaphore(%arg15 : memref<!tpu.dma_semaphore, #tpu.memory_space<semaphore_mem>>)
    %scan3A_26 = arith.constant 0 : i32
    %scan3A_27 = arith.constant 0 : i32
    %scan3A_28 = arith.constant 25 : i32
    %scan3A_29 = arith.addi %scan3A_27, %scan3A_28 : i32
    %scan3A_30 = arith.constant 1 : i32
    scf.for %scan3A_34 = %scan3A_27 to %scan3A_29 step %scan3A_30  : i32 {
      %mul3A_35 = arith.constant 2 : i32
      %mul3A_36 = arith.muli %scan3A_34, %mul3A_35 : i32
      %add3A_37 = arith.constant 0 : i32
      %add3A_38 = arith.addi %mul3A_36, %add3A_37 : i32
      %dma_wait3A = arith.constant 0 : i32
      %dma_wait3A_39 = tpu.memref_slice %arg3[%dma_wait3A] : memref<320000xi32, #tpu.memory_space<hbm>> -> memref<6400xi32, #tpu.memory_space<hbm>>
      %dma_wait3A_40 = arith.constant 0 : i32
      %dma_wait3A_41 = tpu.memref_slice %arg3[%dma_wait3A_40] : memref<320000xi32, #tpu.memory_space<hbm>> -> memref<6400xi32, #tpu.memory_space<hbm>>
      tpu.wait_dma2 semaphore(%arg12 : memref<!tpu.dma_semaphore, #tpu.memory_space<semaphore_mem>>) src(%dma_wait3A_41 : memref<6400xi32, #tpu.memory_space<hbm>>) dst(%arg8 : memref<6400xi32, #tpu.memory_space<vmem>>)
      %dma_wait3A_42 = arith.constant 0 : i32
      %dma_wait3A_43 = tpu.memref_slice %arg4[%dma_wait3A_42] : memref<320000xi32, #tpu.memory_space<hbm>> -> memref<6400xi32, #tpu.memory_space<hbm>>
      %dma_wait3A_44 = arith.constant 0 : i32
      %dma_wait3A_45 = tpu.memref_slice %arg4[%dma_wait3A_44] : memref<320000xi32, #tpu.memory_space<hbm>> -> memref<6400xi32, #tpu.memory_space<hbm>>
      tpu.wait_dma2 semaphore(%arg13 : memref<!tpu.dma_semaphore, #tpu.memory_space<semaphore_mem>>) src(%dma_wait3A_45 : memref<6400xi32, #tpu.memory_space<hbm>>) dst(%arg9 : memref<6400xi32, #tpu.memory_space<vmem>>)
      %parallel_loop3A = arith.constant 0 : i32
      %parallel_loop3A_46 = arith.constant 100 : i32
      %parallel_loop3A_47 = arith.constant 1 : i32
      scf.for %parallel_loop3A_74 = %parallel_loop3A to %parallel_loop3A_46 step %parallel_loop3A_47  : i32 {
        %parallel_loop3A_75 = arith.constant 64 : i32
        %parallel_loop3A_76 = arith.muli %parallel_loop3A_74, %parallel_loop3A_75 : i32
        %parallel_loop3A_77 = arith.constant 0 : i32
        %parallel_loop3A_78 = arith.addi %parallel_loop3A_76, %parallel_loop3A_77 : i32
        %parallel_loop3A_79 = arith.index_cast %parallel_loop3A_78 : i32 to index
        %parallel_loop3A_80 = tpu.vector_load %arg8[%parallel_loop3A_79] {strides = array<i32>} : memref<6400xi32, #tpu.memory_space<vmem>>, vector<16xi32>,
        %parallel_loop3A_81 = arith.constant 16 : i32
        %parallel_loop3A_82 = arith.addi %parallel_loop3A_76, %parallel_loop3A_81 : i32
        %parallel_loop3A_83 = arith.index_cast %parallel_loop3A_82 : i32 to index
        %parallel_loop3A_84 = tpu.vector_load %arg8[%parallel_loop3A_83] {strides = array<i32>} : memref<6400xi32, #tpu.memory_space<vmem>>, vector<16xi32>,
        %parallel_loop3A_85 = arith.constant 32 : i32
        %parallel_loop3A_86 = arith.addi %parallel_loop3A_76, %parallel_loop3A_85 : i32
        %parallel_loop3A_87 = arith.index_cast %parallel_loop3A_86 : i32 to index
        %parallel_loop3A_88 = tpu.vector_load %arg8[%parallel_loop3A_87] {strides = array<i32>} : memref<6400xi32, #tpu.memory_space<vmem>>, vector<16xi32>,
        %parallel_loop3A_89 = arith.constant 48 : i32
        %parallel_loop3A_90 = arith.addi %parallel_loop3A_76, %parallel_loop3A_89 : i32
        %parallel_loop3A_91 = arith.index_cast %parallel_loop3A_90 : i32 to index
        %parallel_loop3A_92 = tpu.vector_load %arg8[%parallel_loop3A_91] {strides = array<i32>} : memref<6400xi32, #tpu.memory_space<vmem>>, vector<16xi32>,
        %parallel_loop3A_93 = arith.constant 0 : i32
        %parallel_loop3A_94 = arith.addi %parallel_loop3A_76, %parallel_loop3A_93 : i32
        %parallel_loop3A_95 = arith.index_cast %parallel_loop3A_94 : i32 to index
        %parallel_loop3A_96 = tpu.vector_load %arg9[%parallel_loop3A_95] {strides = array<i32>} : memref<6400xi32, #tpu.memory_space<vmem>>, vector<16xi32>,
        %parallel_loop3A_97 = arith.constant 16 : i32
        %parallel_loop3A_98 = arith.addi %parallel_loop3A_76, %parallel_loop3A_97 : i32
        %parallel_loop3A_99 = arith.index_cast %parallel_loop3A_98 : i32 to index
        %parallel_loop3A_100 = tpu.vector_load %arg9[%parallel_loop3A_99] {strides = array<i32>} : memref<6400xi32, #tpu.memory_space<vmem>>, vector<16xi32>,
        %parallel_loop3A_101 = arith.constant 32 : i32
        %parallel_loop3A_102 = arith.addi %parallel_loop3A_76, %parallel_loop3A_101 : i32
        %parallel_loop3A_103 = arith.index_cast %parallel_loop3A_102 : i32 to index
        %parallel_loop3A_104 = tpu.vector_load %arg9[%parallel_loop3A_103] {strides = array<i32>} : memref<6400xi32, #tpu.memory_space<vmem>>, vector<16xi32>,
        %parallel_loop3A_105 = arith.constant 48 : i32
        %parallel_loop3A_106 = arith.addi %parallel_loop3A_76, %parallel_loop3A_105 : i32
        %parallel_loop3A_107 = arith.index_cast %parallel_loop3A_106 : i32 to index
        %parallel_loop3A_108 = tpu.vector_load %arg9[%parallel_loop3A_107] {strides = array<i32>} : memref<6400xi32, #tpu.memory_space<vmem>>, vector<16xi32>,
        %parallel_loop3A_109 = arith.constant 0 : i32
        %parallel_loop3A_110 = vector.broadcast %parallel_loop3A_109 : i32 to vector<16xi32>
        %parallel_loop3A_111 = arith.addi %parallel_loop3A_80, %parallel_loop3A_110 : vector<16xi32>
        %parallel_loop3A_112 = tpu.vector_load_idx %arg6[%parallel_loop3A_111] : memref<40000xf32, #tpu.memory_space<vmem>>[vector<16xi32>], vector<16xf32>,
        %parallel_loop3A_113 = arith.constant 10000 : i32
        %parallel_loop3A_114 = vector.broadcast %parallel_loop3A_113 : i32 to vector<16xi32>
        %parallel_loop3A_115 = arith.addi %parallel_loop3A_80, %parallel_loop3A_114 : vector<16xi32>
        %parallel_loop3A_116 = tpu.vector_load_idx %arg6[%parallel_loop3A_115] : memref<40000xf32, #tpu.memory_space<vmem>>[vector<16xi32>], vector<16xf32>,
        %parallel_loop3A_117 = arith.constant 20000 : i32
        %parallel_loop3A_118 = vector.broadcast %parallel_loop3A_117 : i32 to vector<16xi32>
        %parallel_loop3A_119 = arith.addi %parallel_loop3A_80, %parallel_loop3A_118 : vector<16xi32>
        %parallel_loop3A_120 = tpu.vector_load_idx %arg6[%parallel_loop3A_119] : memref<40000xf32, #tpu.memory_space<vmem>>[vector<16xi32>], vector<16xf32>,
        %parallel_loop3A_121 = arith.constant 30000 : i32
        %parallel_loop3A_122 = vector.broadcast %parallel_loop3A_121 : i32 to vector<16xi32>
        %parallel_loop3A_123 = arith.addi %parallel_loop3A_80, %parallel_loop3A_122 : vector<16xi32>
        %parallel_loop3A_124 = tpu.vector_load_idx %arg6[%parallel_loop3A_123] : memref<40000xf32, #tpu.memory_space<vmem>>[vector<16xi32>], vector<16xf32>,
        %parallel_loop3A_125 = arith.constant 0 : i32
        %parallel_loop3A_126 = vector.broadcast %parallel_loop3A_125 : i32 to vector<16xi32>
        %parallel_loop3A_127 = arith.addi %parallel_loop3A_84, %parallel_loop3A_126 : vector<16xi32>
        %parallel_loop3A_128 = tpu.vector_load_idx %arg6[%parallel_loop3A_127] : memref<40000xf32, #tpu.memory_space<vmem>>[vector<16xi32>], vector<16xf32>,
        %parallel_loop3A_129 = arith.constant 10000 : i32
        %parallel_loop3A_130 = vector.broadcast %parallel_loop3A_129 : i32 to vector<16xi32>
        %parallel_loop3A_131 = arith.addi %parallel_loop3A_84, %parallel_loop3A_130 : vector<16xi32>
        %parallel_loop3A_132 = tpu.vector_load_idx %arg6[%parallel_loop3A_131] : memref<40000xf32, #tpu.memory_space<vmem>>[vector<16xi32>], vector<16xf32>,
        %parallel_loop3A_133 = arith.constant 20000 : i32
        %parallel_loop3A_134 = vector.broadcast %parallel_loop3A_133 : i32 to vector<16xi32>
        %parallel_loop3A_135 = arith.addi %parallel_loop3A_84, %parallel_loop3A_134 : vector<16xi32>
        %parallel_loop3A_136 = tpu.vector_load_idx %arg6[%parallel_loop3A_135] : memref<40000xf32, #tpu.memory_space<vmem>>[vector<16xi32>], vector<16xf32>,
        %parallel_loop3A_137 = arith.constant 30000 : i32
        %parallel_loop3A_138 = vector.broadcast %parallel_loop3A_137 : i32 to vector<16xi32>
        %parallel_loop3A_139 = arith.addi %parallel_loop3A_84, %parallel_loop3A_138 : vector<16xi32>
        %parallel_loop3A_140 = tpu.vector_load_idx %arg6[%parallel_loop3A_139] : memref<40000xf32, #tpu.memory_space<vmem>>[vector<16xi32>], vector<16xf32>,
        %parallel_loop3A_141 = arith.constant 0 : i32
        %parallel_loop3A_142 = vector.broadcast %parallel_loop3A_141 : i32 to vector<16xi32>
        %parallel_loop3A_143 = arith.addi %parallel_loop3A_88, %parallel_loop3A_142 : vector<16xi32>
        %parallel_loop3A_144 = tpu.vector_load_idx %arg6[%parallel_loop3A_143] : memref<40000xf32, #tpu.memory_space<vmem>>[vector<16xi32>], vector<16xf32>,
        %parallel_loop3A_145 = arith.constant 10000 : i32
        %parallel_loop3A_146 = vector.broadcast %parallel_loop3A_145 : i32 to vector<16xi32>
        %parallel_loop3A_147 = arith.addi %parallel_loop3A_88, %parallel_loop3A_146 : vector<16xi32>
        %parallel_loop3A_148 = tpu.vector_load_idx %arg6[%parallel_loop3A_147] : memref<40000xf32, #tpu.memory_space<vmem>>[vector<16xi32>], vector<16xf32>,
        %parallel_loop3A_149 = arith.constant 20000 : i32
        %parallel_loop3A_150 = vector.broadcast %parallel_loop3A_149 : i32 to vector<16xi32>
        %parallel_loop3A_151 = arith.addi %parallel_loop3A_88, %parallel_loop3A_150 : vector<16xi32>
        %parallel_loop3A_152 = tpu.vector_load_idx %arg6[%parallel_loop3A_151] : memref<40000xf32, #tpu.memory_space<vmem>>[vector<16xi32>], vector<16xf32>,
        %parallel_loop3A_153 = arith.constant 30000 : i32
        %parallel_loop3A_154 = vector.broadcast %parallel_loop3A_153 : i32 to vector<16xi32>
        %parallel_loop3A_155 = arith.addi %parallel_loop3A_88, %parallel_loop3A_154 : vector<16xi32>
        %parallel_loop3A_156 = tpu.vector_load_idx %arg6[%parallel_loop3A_155] : memref<40000xf32, #tpu.memory_space<vmem>>[vector<16xi32>], vector<16xf32>,
        %parallel_loop3A_157 = arith.constant 0 : i32
        %parallel_loop3A_158 = vector.broadcast %parallel_loop3A_157 : i32 to vector<16xi32>
        %parallel_loop3A_159 = arith.addi %parallel_loop3A_92, %parallel_loop3A_158 : vector<16xi32>
        %parallel_loop3A_160 = tpu.vector_load_idx %arg6[%parallel_loop3A_159] : memref<40000xf32, #tpu.memory_space<vmem>>[vector<16xi32>], vector<16xf32>,
        %parallel_loop3A_161 = arith.constant 10000 : i32
        %parallel_loop3A_162 = vector.broadcast %parallel_loop3A_161 : i32 to vector<16xi32>
        %parallel_loop3A_163 = arith.addi %parallel_loop3A_92, %parallel_loop3A_162 : vector<16xi32>
        %parallel_loop3A_164 = tpu.vector_load_idx %arg6[%parallel_loop3A_163] : memref<40000xf32, #tpu.memory_space<vmem>>[vector<16xi32>], vector<16xf32>,
        %parallel_loop3A_165 = arith.constant 20000 : i32
        %parallel_loop3A_166 = vector.broadcast %parallel_loop3A_165 : i32 to vector<16xi32>
        %parallel_loop3A_167 = arith.addi %parallel_loop3A_92, %parallel_loop3A_166 : vector<16xi32>
        %parallel_loop3A_168 = tpu.vector_load_idx %arg6[%parallel_loop3A_167] : memref<40000xf32, #tpu.memory_space<vmem>>[vector<16xi32>], vector<16xf32>,
        %parallel_loop3A_169 = arith.constant 30000 : i32
        %parallel_loop3A_170 = vector.broadcast %parallel_loop3A_169 : i32 to vector<16xi32>
        %parallel_loop3A_171 = arith.addi %parallel_loop3A_92, %parallel_loop3A_170 : vector<16xi32>
        %parallel_loop3A_172 = tpu.vector_load_idx %arg6[%parallel_loop3A_171] : memref<40000xf32, #tpu.memory_space<vmem>>[vector<16xi32>], vector<16xf32>,
        %parallel_loop3A_173 = arith.constant 0 : i32
        %parallel_loop3A_174 = vector.broadcast %parallel_loop3A_173 : i32 to vector<16xi32>
        %parallel_loop3A_175 = arith.addi %parallel_loop3A_96, %parallel_loop3A_174 : vector<16xi32>
        tpu.vector_store_idx %arg7[%parallel_loop3A_175], %parallel_loop3A_112 {add = true} : memref<40000xf32, #tpu.memory_space<vmem>>[vector<16xi32>], vector<16xf32>,
        %parallel_loop3A_176 = arith.constant 10000 : i32
        %parallel_loop3A_177 = vector.broadcast %parallel_loop3A_176 : i32 to vector<16xi32>
        %parallel_loop3A_178 = arith.addi %parallel_loop3A_96, %parallel_loop3A_177 : vector<16xi32>
        tpu.vector_store_idx %arg7[%parallel_loop3A_178], %parallel_loop3A_116 {add = true} : memref<40000xf32, #tpu.memory_space<vmem>>[vector<16xi32>], vector<16xf32>,
        %parallel_loop3A_179 = arith.constant 20000 : i32
        %parallel_loop3A_180 = vector.broadcast %parallel_loop3A_179 : i32 to vector<16xi32>
        %parallel_loop3A_181 = arith.addi %parallel_loop3A_96, %parallel_loop3A_180 : vector<16xi32>
        tpu.vector_store_idx %arg7[%parallel_loop3A_181], %parallel_loop3A_120 {add = true} : memref<40000xf32, #tpu.memory_space<vmem>>[vector<16xi32>], vector<16xf32>,
        %parallel_loop3A_182 = arith.constant 30000 : i32
        %parallel_loop3A_183 = vector.broadcast %parallel_loop3A_182 : i32 to vector<16xi32>
        %parallel_loop3A_184 = arith.addi %parallel_loop3A_96, %parallel_loop3A_183 : vector<16xi32>
        tpu.vector_store_idx %arg7[%parallel_loop3A_184], %parallel_loop3A_124 {add = true} : memref<40000xf32, #tpu.memory_space<vmem>>[vector<16xi32>], vector<16xf32>,
        %parallel_loop3A_185 = arith.constant 0 : i32
        %parallel_loop3A_186 = vector.broadcast %parallel_loop3A_185 : i32 to vector<16xi32>
        %parallel_loop3A_187 = arith.addi %parallel_loop3A_100, %parallel_loop3A_186 : vector<16xi32>
        tpu.vector_store_idx %arg7[%parallel_loop3A_187], %parallel_loop3A_128 {add = true} : memref<40000xf32, #tpu.memory_space<vmem>>[vector<16xi32>], vector<16xf32>,
        %parallel_loop3A_188 = arith.constant 10000 : i32
        %parallel_loop3A_189 = vector.broadcast %parallel_loop3A_188 : i32 to vector<16xi32>
        %parallel_loop3A_190 = arith.addi %parallel_loop3A_100, %parallel_loop3A_189 : vector<16xi32>
        tpu.vector_store_idx %arg7[%parallel_loop3A_190], %parallel_loop3A_132 {add = true} : memref<40000xf32, #tpu.memory_space<vmem>>[vector<16xi32>], vector<16xf32>,
        %parallel_loop3A_191 = arith.constant 20000 : i32
        %parallel_loop3A_192 = vector.broadcast %parallel_loop3A_191 : i32 to vector<16xi32>
        %parallel_loop3A_193 = arith.addi %parallel_loop3A_100, %parallel_loop3A_192 : vector<16xi32>
        tpu.vector_store_idx %arg7[%parallel_loop3A_193], %parallel_loop3A_136 {add = true} : memref<40000xf32, #tpu.memory_space<vmem>>[vector<16xi32>], vector<16xf32>,
        %parallel_loop3A_194 = arith.constant 30000 : i32
        %parallel_loop3A_195 = vector.broadcast %parallel_loop3A_194 : i32 to vector<16xi32>
        %parallel_loop3A_196 = arith.addi %parallel_loop3A_100, %parallel_loop3A_195 : vector<16xi32>
        tpu.vector_store_idx %arg7[%parallel_loop3A_196], %parallel_loop3A_140 {add = true} : memref<40000xf32, #tpu.memory_space<vmem>>[vector<16xi32>], vector<16xf32>,
        %parallel_loop3A_197 = arith.constant 0 : i32
        %parallel_loop3A_198 = vector.broadcast %parallel_loop3A_197 : i32 to vector<16xi32>
        %parallel_loop3A_199 = arith.addi %parallel_loop3A_104, %parallel_loop3A_198 : vector<16xi32>
        tpu.vector_store_idx %arg7[%parallel_loop3A_199], %parallel_loop3A_144 {add = true} : memref<40000xf32, #tpu.memory_space<vmem>>[vector<16xi32>], vector<16xf32>,
        %parallel_loop3A_200 = arith.constant 10000 : i32
        %parallel_loop3A_201 = vector.broadcast %parallel_loop3A_200 : i32 to vector<16xi32>
        %parallel_loop3A_202 = arith.addi %parallel_loop3A_104, %parallel_loop3A_201 : vector<16xi32>
        tpu.vector_store_idx %arg7[%parallel_loop3A_202], %parallel_loop3A_148 {add = true} : memref<40000xf32, #tpu.memory_space<vmem>>[vector<16xi32>], vector<16xf32>,
        %parallel_loop3A_203 = arith.constant 20000 : i32
        %parallel_loop3A_204 = vector.broadcast %parallel_loop3A_203 : i32 to vector<16xi32>
        %parallel_loop3A_205 = arith.addi %parallel_loop3A_104, %parallel_loop3A_204 : vector<16xi32>
        tpu.vector_store_idx %arg7[%parallel_loop3A_205], %parallel_loop3A_152 {add = true} : memref<40000xf32, #tpu.memory_space<vmem>>[vector<16xi32>], vector<16xf32>,
        %parallel_loop3A_206 = arith.constant 30000 : i32
        %parallel_loop3A_207 = vector.broadcast %parallel_loop3A_206 : i32 to vector<16xi32>
        %parallel_loop3A_208 = arith.addi %parallel_loop3A_104, %parallel_loop3A_207 : vector<16xi32>
        tpu.vector_store_idx %arg7[%parallel_loop3A_208], %parallel_loop3A_156 {add = true} : memref<40000xf32, #tpu.memory_space<vmem>>[vector<16xi32>], vector<16xf32>,
        %parallel_loop3A_209 = arith.constant 0 : i32
        %parallel_loop3A_210 = vector.broadcast %parallel_loop3A_209 : i32 to vector<16xi32>
        %parallel_loop3A_211 = arith.addi %parallel_loop3A_108, %parallel_loop3A_210 : vector<16xi32>
        tpu.vector_store_idx %arg7[%parallel_loop3A_211], %parallel_loop3A_160 {add = true} : memref<40000xf32, #tpu.memory_space<vmem>>[vector<16xi32>], vector<16xf32>,
        %parallel_loop3A_212 = arith.constant 10000 : i32
        %parallel_loop3A_213 = vector.broadcast %parallel_loop3A_212 : i32 to vector<16xi32>
        %parallel_loop3A_214 = arith.addi %parallel_loop3A_108, %parallel_loop3A_213 : vector<16xi32>
        tpu.vector_store_idx %arg7[%parallel_loop3A_214], %parallel_loop3A_164 {add = true} : memref<40000xf32, #tpu.memory_space<vmem>>[vector<16xi32>], vector<16xf32>,
        %parallel_loop3A_215 = arith.constant 20000 : i32
        %parallel_loop3A_216 = vector.broadcast %parallel_loop3A_215 : i32 to vector<16xi32>
        %parallel_loop3A_217 = arith.addi %parallel_loop3A_108, %parallel_loop3A_216 : vector<16xi32>
        tpu.vector_store_idx %arg7[%parallel_loop3A_217], %parallel_loop3A_168 {add = true} : memref<40000xf32, #tpu.memory_space<vmem>>[vector<16xi32>], vector<16xf32>,
        %parallel_loop3A_218 = arith.constant 30000 : i32
        %parallel_loop3A_219 = vector.broadcast %parallel_loop3A_218 : i32 to vector<16xi32>
        %parallel_loop3A_220 = arith.addi %parallel_loop3A_108, %parallel_loop3A_219 : vector<16xi32>
        tpu.vector_store_idx %arg7[%parallel_loop3A_220], %parallel_loop3A_172 {add = true} : memref<40000xf32, #tpu.memory_space<vmem>>[vector<16xi32>], vector<16xf32>,
      } {sc.loop_unroll_factor = 1 : i64, sc.parallel_access}
      %add3A_48 = arith.constant 2 : i32
      %add3A_49 = arith.addi %add3A_38, %add3A_48 : i32
      %lt3A = arith.constant 50 : i32
      %lt3A_50 = arith.cmpi slt, %add3A_49, %lt3A : i32
      %convert_element_type3A = arith.extui %lt3A_50 : i1 to i32
      %cond3A = arith.constant 0 : i32
      %cond3A_51 = arith.cmpi ne, %convert_element_type3A, %cond3A : i32
      scf.if %cond3A_51 {
        %add3A_74 = arith.constant 2 : i32
        %add3A_75 = arith.addi %add3A_38, %add3A_74 : i32
        %mul3A_76 = arith.constant 6400 : i32
        %mul3A_77 = arith.muli %add3A_75, %mul3A_76 : i32
        %dma_start3A_78 = tpu.memref_slice %arg3[%mul3A_77] : memref<320000xi32, #tpu.memory_space<hbm>> -> memref<6400xi32, #tpu.memory_space<hbm>>
        %dma_start3A_79 = tpu.memref_slice %arg3[%mul3A_77] : memref<320000xi32, #tpu.memory_space<hbm>> -> memref<6400xi32, #tpu.memory_space<hbm>>
        tpu.enqueue_dma source(%dma_start3A_79 : memref<6400xi32, #tpu.memory_space<hbm>>) target(%arg8 : memref<6400xi32, #tpu.memory_space<vmem>>) target_semaphore(%arg12 : memref<!tpu.dma_semaphore, #tpu.memory_space<semaphore_mem>>)
        %mul3A_80 = arith.constant 6400 : i32
        %mul3A_81 = arith.muli %add3A_75, %mul3A_80 : i32
        %dma_start3A_82 = tpu.memref_slice %arg4[%mul3A_81] : memref<320000xi32, #tpu.memory_space<hbm>> -> memref<6400xi32, #tpu.memory_space<hbm>>
        %dma_start3A_83 = tpu.memref_slice %arg4[%mul3A_81] : memref<320000xi32, #tpu.memory_space<hbm>> -> memref<6400xi32, #tpu.memory_space<hbm>>
        tpu.enqueue_dma source(%dma_start3A_83 : memref<6400xi32, #tpu.memory_space<hbm>>) target(%arg9 : memref<6400xi32, #tpu.memory_space<vmem>>) target_semaphore(%arg13 : memref<!tpu.dma_semaphore, #tpu.memory_space<semaphore_mem>>)
      } else {
      }
      %mul3A_52 = arith.constant 2 : i32
      %mul3A_53 = arith.muli %scan3A_34, %mul3A_52 : i32
      %add3A_54 = arith.constant 1 : i32
      %add3A_55 = arith.addi %mul3A_53, %add3A_54 : i32
      %dma_wait3A_56 = arith.constant 0 : i32
      %dma_wait3A_57 = tpu.memref_slice %arg3[%dma_wait3A_56] : memref<320000xi32, #tpu.memory_space<hbm>> -> memref<6400xi32, #tpu.memory_space<hbm>>
      %dma_wait3A_58 = arith.constant 0 : i32
      %dma_wait3A_59 = tpu.memref_slice %arg3[%dma_wait3A_58] : memref<320000xi32, #tpu.memory_space<hbm>> -> memref<6400xi32, #tpu.memory_space<hbm>>
      tpu.wait_dma2 semaphore(%arg14 : memref<!tpu.dma_semaphore, #tpu.memory_space<semaphore_mem>>) src(%dma_wait3A_59 : memref<6400xi32, #tpu.memory_space<hbm>>) dst(%arg10 : memref<6400xi32, #tpu.memory_space<vmem>>)
      %dma_wait3A_60 = arith.constant 0 : i32
      %dma_wait3A_61 = tpu.memref_slice %arg4[%dma_wait3A_60] : memref<320000xi32, #tpu.memory_space<hbm>> -> memref<6400xi32, #tpu.memory_space<hbm>>
      %dma_wait3A_62 = arith.constant 0 : i32
      %dma_wait3A_63 = tpu.memref_slice %arg4[%dma_wait3A_62] : memref<320000xi32, #tpu.memory_space<hbm>> -> memref<6400xi32, #tpu.memory_space<hbm>>
      tpu.wait_dma2 semaphore(%arg15 : memref<!tpu.dma_semaphore, #tpu.memory_space<semaphore_mem>>) src(%dma_wait3A_63 : memref<6400xi32, #tpu.memory_space<hbm>>) dst(%arg11 : memref<6400xi32, #tpu.memory_space<vmem>>)
      %parallel_loop3A_64 = arith.constant 0 : i32
      %parallel_loop3A_65 = arith.constant 100 : i32
      %parallel_loop3A_66 = arith.constant 1 : i32
      scf.for %parallel_loop3A_74 = %parallel_loop3A_64 to %parallel_loop3A_65 step %parallel_loop3A_66  : i32 {
        %parallel_loop3A_75 = arith.constant 64 : i32
        %parallel_loop3A_76 = arith.muli %parallel_loop3A_74, %parallel_loop3A_75 : i32
        %parallel_loop3A_77 = arith.constant 0 : i32
        %parallel_loop3A_78 = arith.addi %parallel_loop3A_76, %parallel_loop3A_77 : i32
        %parallel_loop3A_79 = arith.index_cast %parallel_loop3A_78 : i32 to index
        %parallel_loop3A_80 = tpu.vector_load %arg10[%parallel_loop3A_79] {strides = array<i32>} : memref<6400xi32, #tpu.memory_space<vmem>>, vector<16xi32>,
        %parallel_loop3A_81 = arith.constant 16 : i32
        %parallel_loop3A_82 = arith.addi %parallel_loop3A_76, %parallel_loop3A_81 : i32
        %parallel_loop3A_83 = arith.index_cast %parallel_loop3A_82 : i32 to index
        %parallel_loop3A_84 = tpu.vector_load %arg10[%parallel_loop3A_83] {strides = array<i32>} : memref<6400xi32, #tpu.memory_space<vmem>>, vector<16xi32>,
        %parallel_loop3A_85 = arith.constant 32 : i32
        %parallel_loop3A_86 = arith.addi %parallel_loop3A_76, %parallel_loop3A_85 : i32
        %parallel_loop3A_87 = arith.index_cast %parallel_loop3A_86 : i32 to index
        %parallel_loop3A_88 = tpu.vector_load %arg10[%parallel_loop3A_87] {strides = array<i32>} : memref<6400xi32, #tpu.memory_space<vmem>>, vector<16xi32>,
        %parallel_loop3A_89 = arith.constant 48 : i32
        %parallel_loop3A_90 = arith.addi %parallel_loop3A_76, %parallel_loop3A_89 : i32
        %parallel_loop3A_91 = arith.index_cast %parallel_loop3A_90 : i32 to index
        %parallel_loop3A_92 = tpu.vector_load %arg10[%parallel_loop3A_91] {strides = array<i32>} : memref<6400xi32, #tpu.memory_space<vmem>>, vector<16xi32>,
        %parallel_loop3A_93 = arith.constant 0 : i32
        %parallel_loop3A_94 = arith.addi %parallel_loop3A_76, %parallel_loop3A_93 : i32
        %parallel_loop3A_95 = arith.index_cast %parallel_loop3A_94 : i32 to index
        %parallel_loop3A_96 = tpu.vector_load %arg11[%parallel_loop3A_95] {strides = array<i32>} : memref<6400xi32, #tpu.memory_space<vmem>>, vector<16xi32>,
        %parallel_loop3A_97 = arith.constant 16 : i32
        %parallel_loop3A_98 = arith.addi %parallel_loop3A_76, %parallel_loop3A_97 : i32
        %parallel_loop3A_99 = arith.index_cast %parallel_loop3A_98 : i32 to index
        %parallel_loop3A_100 = tpu.vector_load %arg11[%parallel_loop3A_99] {strides = array<i32>} : memref<6400xi32, #tpu.memory_space<vmem>>, vector<16xi32>,
        %parallel_loop3A_101 = arith.constant 32 : i32
        %parallel_loop3A_102 = arith.addi %parallel_loop3A_76, %parallel_loop3A_101 : i32
        %parallel_loop3A_103 = arith.index_cast %parallel_loop3A_102 : i32 to index
        %parallel_loop3A_104 = tpu.vector_load %arg11[%parallel_loop3A_103] {strides = array<i32>} : memref<6400xi32, #tpu.memory_space<vmem>>, vector<16xi32>,
        %parallel_loop3A_105 = arith.constant 48 : i32
        %parallel_loop3A_106 = arith.addi %parallel_loop3A_76, %parallel_loop3A_105 : i32
        %parallel_loop3A_107 = arith.index_cast %parallel_loop3A_106 : i32 to index
        %parallel_loop3A_108 = tpu.vector_load %arg11[%parallel_loop3A_107] {strides = array<i32>} : memref<6400xi32, #tpu.memory_space<vmem>>, vector<16xi32>,
        %parallel_loop3A_109 = arith.constant 0 : i32
        %parallel_loop3A_110 = vector.broadcast %parallel_loop3A_109 : i32 to vector<16xi32>
        %parallel_loop3A_111 = arith.addi %parallel_loop3A_80, %parallel_loop3A_110 : vector<16xi32>
        %parallel_loop3A_112 = tpu.vector_load_idx %arg6[%parallel_loop3A_111] : memref<40000xf32, #tpu.memory_space<vmem>>[vector<16xi32>], vector<16xf32>,
        %parallel_loop3A_113 = arith.constant 10000 : i32
        %parallel_loop3A_114 = vector.broadcast %parallel_loop3A_113 : i32 to vector<16xi32>
        %parallel_loop3A_115 = arith.addi %parallel_loop3A_80, %parallel_loop3A_114 : vector<16xi32>
        %parallel_loop3A_116 = tpu.vector_load_idx %arg6[%parallel_loop3A_115] : memref<40000xf32, #tpu.memory_space<vmem>>[vector<16xi32>], vector<16xf32>,
        %parallel_loop3A_117 = arith.constant 20000 : i32
        %parallel_loop3A_118 = vector.broadcast %parallel_loop3A_117 : i32 to vector<16xi32>
        %parallel_loop3A_119 = arith.addi %parallel_loop3A_80, %parallel_loop3A_118 : vector<16xi32>
        %parallel_loop3A_120 = tpu.vector_load_idx %arg6[%parallel_loop3A_119] : memref<40000xf32, #tpu.memory_space<vmem>>[vector<16xi32>], vector<16xf32>,
        %parallel_loop3A_121 = arith.constant 30000 : i32
        %parallel_loop3A_122 = vector.broadcast %parallel_loop3A_121 : i32 to vector<16xi32>
        %parallel_loop3A_123 = arith.addi %parallel_loop3A_80, %parallel_loop3A_122 : vector<16xi32>
        %parallel_loop3A_124 = tpu.vector_load_idx %arg6[%parallel_loop3A_123] : memref<40000xf32, #tpu.memory_space<vmem>>[vector<16xi32>], vector<16xf32>,
        %parallel_loop3A_125 = arith.constant 0 : i32
        %parallel_loop3A_126 = vector.broadcast %parallel_loop3A_125 : i32 to vector<16xi32>
        %parallel_loop3A_127 = arith.addi %parallel_loop3A_84, %parallel_loop3A_126 : vector<16xi32>
        %parallel_loop3A_128 = tpu.vector_load_idx %arg6[%parallel_loop3A_127] : memref<40000xf32, #tpu.memory_space<vmem>>[vector<16xi32>], vector<16xf32>,
        %parallel_loop3A_129 = arith.constant 10000 : i32
        %parallel_loop3A_130 = vector.broadcast %parallel_loop3A_129 : i32 to vector<16xi32>
        %parallel_loop3A_131 = arith.addi %parallel_loop3A_84, %parallel_loop3A_130 : vector<16xi32>
        %parallel_loop3A_132 = tpu.vector_load_idx %arg6[%parallel_loop3A_131] : memref<40000xf32, #tpu.memory_space<vmem>>[vector<16xi32>], vector<16xf32>,
        %parallel_loop3A_133 = arith.constant 20000 : i32
        %parallel_loop3A_134 = vector.broadcast %parallel_loop3A_133 : i32 to vector<16xi32>
        %parallel_loop3A_135 = arith.addi %parallel_loop3A_84, %parallel_loop3A_134 : vector<16xi32>
        %parallel_loop3A_136 = tpu.vector_load_idx %arg6[%parallel_loop3A_135] : memref<40000xf32, #tpu.memory_space<vmem>>[vector<16xi32>], vector<16xf32>,
        %parallel_loop3A_137 = arith.constant 30000 : i32
        %parallel_loop3A_138 = vector.broadcast %parallel_loop3A_137 : i32 to vector<16xi32>
        %parallel_loop3A_139 = arith.addi %parallel_loop3A_84, %parallel_loop3A_138 : vector<16xi32>
        %parallel_loop3A_140 = tpu.vector_load_idx %arg6[%parallel_loop3A_139] : memref<40000xf32, #tpu.memory_space<vmem>>[vector<16xi32>], vector<16xf32>,
        %parallel_loop3A_141 = arith.constant 0 : i32
        %parallel_loop3A_142 = vector.broadcast %parallel_loop3A_141 : i32 to vector<16xi32>
        %parallel_loop3A_143 = arith.addi %parallel_loop3A_88, %parallel_loop3A_142 : vector<16xi32>
        %parallel_loop3A_144 = tpu.vector_load_idx %arg6[%parallel_loop3A_143] : memref<40000xf32, #tpu.memory_space<vmem>>[vector<16xi32>], vector<16xf32>,
        %parallel_loop3A_145 = arith.constant 10000 : i32
        %parallel_loop3A_146 = vector.broadcast %parallel_loop3A_145 : i32 to vector<16xi32>
        %parallel_loop3A_147 = arith.addi %parallel_loop3A_88, %parallel_loop3A_146 : vector<16xi32>
        %parallel_loop3A_148 = tpu.vector_load_idx %arg6[%parallel_loop3A_147] : memref<40000xf32, #tpu.memory_space<vmem>>[vector<16xi32>], vector<16xf32>,
        %parallel_loop3A_149 = arith.constant 20000 : i32
        %parallel_loop3A_150 = vector.broadcast %parallel_loop3A_149 : i32 to vector<16xi32>
        %parallel_loop3A_151 = arith.addi %parallel_loop3A_88, %parallel_loop3A_150 : vector<16xi32>
        %parallel_loop3A_152 = tpu.vector_load_idx %arg6[%parallel_loop3A_151] : memref<40000xf32, #tpu.memory_space<vmem>>[vector<16xi32>], vector<16xf32>,
        %parallel_loop3A_153 = arith.constant 30000 : i32
        %parallel_loop3A_154 = vector.broadcast %parallel_loop3A_153 : i32 to vector<16xi32>
        %parallel_loop3A_155 = arith.addi %parallel_loop3A_88, %parallel_loop3A_154 : vector<16xi32>
        %parallel_loop3A_156 = tpu.vector_load_idx %arg6[%parallel_loop3A_155] : memref<40000xf32, #tpu.memory_space<vmem>>[vector<16xi32>], vector<16xf32>,
        %parallel_loop3A_157 = arith.constant 0 : i32
        %parallel_loop3A_158 = vector.broadcast %parallel_loop3A_157 : i32 to vector<16xi32>
        %parallel_loop3A_159 = arith.addi %parallel_loop3A_92, %parallel_loop3A_158 : vector<16xi32>
        %parallel_loop3A_160 = tpu.vector_load_idx %arg6[%parallel_loop3A_159] : memref<40000xf32, #tpu.memory_space<vmem>>[vector<16xi32>], vector<16xf32>,
        %parallel_loop3A_161 = arith.constant 10000 : i32
        %parallel_loop3A_162 = vector.broadcast %parallel_loop3A_161 : i32 to vector<16xi32>
        %parallel_loop3A_163 = arith.addi %parallel_loop3A_92, %parallel_loop3A_162 : vector<16xi32>
        %parallel_loop3A_164 = tpu.vector_load_idx %arg6[%parallel_loop3A_163] : memref<40000xf32, #tpu.memory_space<vmem>>[vector<16xi32>], vector<16xf32>,
        %parallel_loop3A_165 = arith.constant 20000 : i32
        %parallel_loop3A_166 = vector.broadcast %parallel_loop3A_165 : i32 to vector<16xi32>
        %parallel_loop3A_167 = arith.addi %parallel_loop3A_92, %parallel_loop3A_166 : vector<16xi32>
        %parallel_loop3A_168 = tpu.vector_load_idx %arg6[%parallel_loop3A_167] : memref<40000xf32, #tpu.memory_space<vmem>>[vector<16xi32>], vector<16xf32>,
        %parallel_loop3A_169 = arith.constant 30000 : i32
        %parallel_loop3A_170 = vector.broadcast %parallel_loop3A_169 : i32 to vector<16xi32>
        %parallel_loop3A_171 = arith.addi %parallel_loop3A_92, %parallel_loop3A_170 : vector<16xi32>
        %parallel_loop3A_172 = tpu.vector_load_idx %arg6[%parallel_loop3A_171] : memref<40000xf32, #tpu.memory_space<vmem>>[vector<16xi32>], vector<16xf32>,
        %parallel_loop3A_173 = arith.constant 0 : i32
        %parallel_loop3A_174 = vector.broadcast %parallel_loop3A_173 : i32 to vector<16xi32>
        %parallel_loop3A_175 = arith.addi %parallel_loop3A_96, %parallel_loop3A_174 : vector<16xi32>
        tpu.vector_store_idx %arg7[%parallel_loop3A_175], %parallel_loop3A_112 {add = true} : memref<40000xf32, #tpu.memory_space<vmem>>[vector<16xi32>], vector<16xf32>,
        %parallel_loop3A_176 = arith.constant 10000 : i32
        %parallel_loop3A_177 = vector.broadcast %parallel_loop3A_176 : i32 to vector<16xi32>
        %parallel_loop3A_178 = arith.addi %parallel_loop3A_96, %parallel_loop3A_177 : vector<16xi32>
        tpu.vector_store_idx %arg7[%parallel_loop3A_178], %parallel_loop3A_116 {add = true} : memref<40000xf32, #tpu.memory_space<vmem>>[vector<16xi32>], vector<16xf32>,
        %parallel_loop3A_179 = arith.constant 20000 : i32
        %parallel_loop3A_180 = vector.broadcast %parallel_loop3A_179 : i32 to vector<16xi32>
        %parallel_loop3A_181 = arith.addi %parallel_loop3A_96, %parallel_loop3A_180 : vector<16xi32>
        tpu.vector_store_idx %arg7[%parallel_loop3A_181], %parallel_loop3A_120 {add = true} : memref<40000xf32, #tpu.memory_space<vmem>>[vector<16xi32>], vector<16xf32>,
        %parallel_loop3A_182 = arith.constant 30000 : i32
        %parallel_loop3A_183 = vector.broadcast %parallel_loop3A_182 : i32 to vector<16xi32>
        %parallel_loop3A_184 = arith.addi %parallel_loop3A_96, %parallel_loop3A_183 : vector<16xi32>
        tpu.vector_store_idx %arg7[%parallel_loop3A_184], %parallel_loop3A_124 {add = true} : memref<40000xf32, #tpu.memory_space<vmem>>[vector<16xi32>], vector<16xf32>,
        %parallel_loop3A_185 = arith.constant 0 : i32
        %parallel_loop3A_186 = vector.broadcast %parallel_loop3A_185 : i32 to vector<16xi32>
        %parallel_loop3A_187 = arith.addi %parallel_loop3A_100, %parallel_loop3A_186 : vector<16xi32>
        tpu.vector_store_idx %arg7[%parallel_loop3A_187], %parallel_loop3A_128 {add = true} : memref<40000xf32, #tpu.memory_space<vmem>>[vector<16xi32>], vector<16xf32>,
        %parallel_loop3A_188 = arith.constant 10000 : i32
        %parallel_loop3A_189 = vector.broadcast %parallel_loop3A_188 : i32 to vector<16xi32>
        %parallel_loop3A_190 = arith.addi %parallel_loop3A_100, %parallel_loop3A_189 : vector<16xi32>
        tpu.vector_store_idx %arg7[%parallel_loop3A_190], %parallel_loop3A_132 {add = true} : memref<40000xf32, #tpu.memory_space<vmem>>[vector<16xi32>], vector<16xf32>,
        %parallel_loop3A_191 = arith.constant 20000 : i32
        %parallel_loop3A_192 = vector.broadcast %parallel_loop3A_191 : i32 to vector<16xi32>
        %parallel_loop3A_193 = arith.addi %parallel_loop3A_100, %parallel_loop3A_192 : vector<16xi32>
        tpu.vector_store_idx %arg7[%parallel_loop3A_193], %parallel_loop3A_136 {add = true} : memref<40000xf32, #tpu.memory_space<vmem>>[vector<16xi32>], vector<16xf32>,
        %parallel_loop3A_194 = arith.constant 30000 : i32
        %parallel_loop3A_195 = vector.broadcast %parallel_loop3A_194 : i32 to vector<16xi32>
        %parallel_loop3A_196 = arith.addi %parallel_loop3A_100, %parallel_loop3A_195 : vector<16xi32>
        tpu.vector_store_idx %arg7[%parallel_loop3A_196], %parallel_loop3A_140 {add = true} : memref<40000xf32, #tpu.memory_space<vmem>>[vector<16xi32>], vector<16xf32>,
        %parallel_loop3A_197 = arith.constant 0 : i32
        %parallel_loop3A_198 = vector.broadcast %parallel_loop3A_197 : i32 to vector<16xi32>
        %parallel_loop3A_199 = arith.addi %parallel_loop3A_104, %parallel_loop3A_198 : vector<16xi32>
        tpu.vector_store_idx %arg7[%parallel_loop3A_199], %parallel_loop3A_144 {add = true} : memref<40000xf32, #tpu.memory_space<vmem>>[vector<16xi32>], vector<16xf32>,
        %parallel_loop3A_200 = arith.constant 10000 : i32
        %parallel_loop3A_201 = vector.broadcast %parallel_loop3A_200 : i32 to vector<16xi32>
        %parallel_loop3A_202 = arith.addi %parallel_loop3A_104, %parallel_loop3A_201 : vector<16xi32>
        tpu.vector_store_idx %arg7[%parallel_loop3A_202], %parallel_loop3A_148 {add = true} : memref<40000xf32, #tpu.memory_space<vmem>>[vector<16xi32>], vector<16xf32>,
        %parallel_loop3A_203 = arith.constant 20000 : i32
        %parallel_loop3A_204 = vector.broadcast %parallel_loop3A_203 : i32 to vector<16xi32>
        %parallel_loop3A_205 = arith.addi %parallel_loop3A_104, %parallel_loop3A_204 : vector<16xi32>
        tpu.vector_store_idx %arg7[%parallel_loop3A_205], %parallel_loop3A_152 {add = true} : memref<40000xf32, #tpu.memory_space<vmem>>[vector<16xi32>], vector<16xf32>,
        %parallel_loop3A_206 = arith.constant 30000 : i32
        %parallel_loop3A_207 = vector.broadcast %parallel_loop3A_206 : i32 to vector<16xi32>
        %parallel_loop3A_208 = arith.addi %parallel_loop3A_104, %parallel_loop3A_207 : vector<16xi32>
        tpu.vector_store_idx %arg7[%parallel_loop3A_208], %parallel_loop3A_156 {add = true} : memref<40000xf32, #tpu.memory_space<vmem>>[vector<16xi32>], vector<16xf32>,
        %parallel_loop3A_209 = arith.constant 0 : i32
        %parallel_loop3A_210 = vector.broadcast %parallel_loop3A_209 : i32 to vector<16xi32>
        %parallel_loop3A_211 = arith.addi %parallel_loop3A_108, %parallel_loop3A_210 : vector<16xi32>
        tpu.vector_store_idx %arg7[%parallel_loop3A_211], %parallel_loop3A_160 {add = true} : memref<40000xf32, #tpu.memory_space<vmem>>[vector<16xi32>], vector<16xf32>,
        %parallel_loop3A_212 = arith.constant 10000 : i32
        %parallel_loop3A_213 = vector.broadcast %parallel_loop3A_212 : i32 to vector<16xi32>
        %parallel_loop3A_214 = arith.addi %parallel_loop3A_108, %parallel_loop3A_213 : vector<16xi32>
        tpu.vector_store_idx %arg7[%parallel_loop3A_214], %parallel_loop3A_164 {add = true} : memref<40000xf32, #tpu.memory_space<vmem>>[vector<16xi32>], vector<16xf32>,
        %parallel_loop3A_215 = arith.constant 20000 : i32
        %parallel_loop3A_216 = vector.broadcast %parallel_loop3A_215 : i32 to vector<16xi32>
        %parallel_loop3A_217 = arith.addi %parallel_loop3A_108, %parallel_loop3A_216 : vector<16xi32>
        tpu.vector_store_idx %arg7[%parallel_loop3A_217], %parallel_loop3A_168 {add = true} : memref<40000xf32, #tpu.memory_space<vmem>>[vector<16xi32>], vector<16xf32>,
        %parallel_loop3A_218 = arith.constant 30000 : i32
        %parallel_loop3A_219 = vector.broadcast %parallel_loop3A_218 : i32 to vector<16xi32>
        %parallel_loop3A_220 = arith.addi %parallel_loop3A_108, %parallel_loop3A_219 : vector<16xi32>
        tpu.vector_store_idx %arg7[%parallel_loop3A_220], %parallel_loop3A_172 {add = true} : memref<40000xf32, #tpu.memory_space<vmem>>[vector<16xi32>], vector<16xf32>,
      } {sc.loop_unroll_factor = 1 : i64, sc.parallel_access}
      %add3A_67 = arith.constant 2 : i32
      %add3A_68 = arith.addi %add3A_55, %add3A_67 : i32
      %lt3A_69 = arith.constant 50 : i32
      %lt3A_70 = arith.cmpi slt, %add3A_68, %lt3A_69 : i32
      %convert_element_type3A_71 = arith.extui %lt3A_70 : i1 to i32
      %cond3A_72 = arith.constant 0 : i32
      %cond3A_73 = arith.cmpi ne, %convert_element_type3A_71, %cond3A_72 : i32
      scf.if %cond3A_73 {
        %add3A_74 = arith.constant 2 : i32
        %add3A_75 = arith.addi %add3A_55, %add3A_74 : i32
        %mul3A_76 = arith.constant 6400 : i32
        %mul3A_77 = arith.muli %add3A_75, %mul3A_76 : i32
        %dma_start3A_78 = tpu.memref_slice %arg3[%mul3A_77] : memref<320000xi32, #tpu.memory_space<hbm>> -> memref<6400xi32, #tpu.memory_space<hbm>>
        %dma_start3A_79 = tpu.memref_slice %arg3[%mul3A_77] : memref<320000xi32, #tpu.memory_space<hbm>> -> memref<6400xi32, #tpu.memory_space<hbm>>
        tpu.enqueue_dma source(%dma_start3A_79 : memref<6400xi32, #tpu.memory_space<hbm>>) target(%arg10 : memref<6400xi32, #tpu.memory_space<vmem>>) target_semaphore(%arg14 : memref<!tpu.dma_semaphore, #tpu.memory_space<semaphore_mem>>)
        %mul3A_80 = arith.constant 6400 : i32
        %mul3A_81 = arith.muli %add3A_75, %mul3A_80 : i32
        %dma_start3A_82 = tpu.memref_slice %arg4[%mul3A_81] : memref<320000xi32, #tpu.memory_space<hbm>> -> memref<6400xi32, #tpu.memory_space<hbm>>
        %dma_start3A_83 = tpu.memref_slice %arg4[%mul3A_81] : memref<320000xi32, #tpu.memory_space<hbm>> -> memref<6400xi32, #tpu.memory_space<hbm>>
        tpu.enqueue_dma source(%dma_start3A_83 : memref<6400xi32, #tpu.memory_space<hbm>>) target(%arg11 : memref<6400xi32, #tpu.memory_space<vmem>>) target_semaphore(%arg15 : memref<!tpu.dma_semaphore, #tpu.memory_space<semaphore_mem>>)
      } else {
      }
    }
    %scan3A_31 = arith.constant 25 : i32
    %mul3A_32 = arith.constant 40000 : i32
    %mul3A_33 = arith.muli %add3A, %mul3A_32 : i32
    "tpu.region"() ({
      %run_scoped3A = tpu.sem_alloc : memref<!tpu.dma_semaphore, #tpu.memory_space<semaphore_mem>>
      %dma_start3A_34 = tpu.memref_slice %arg5[%mul3A_33] : memref<1280000xf32, #tpu.memory_space<hbm>> -> memref<40000xf32, #tpu.memory_space<hbm>>
      %dma_start3A_35 = tpu.memref_slice %arg5[%mul3A_33] : memref<1280000xf32, #tpu.memory_space<hbm>> -> memref<40000xf32, #tpu.memory_space<hbm>>
      tpu.enqueue_dma source(%arg7 : memref<40000xf32, #tpu.memory_space<vmem>>) target(%dma_start3A_35 : memref<40000xf32, #tpu.memory_space<hbm>>) target_semaphore(%run_scoped3A : memref<!tpu.dma_semaphore, #tpu.memory_space<semaphore_mem>>)
      %dma_wait3A = tpu.memref_slice %arg5[%mul3A_33] : memref<1280000xf32, #tpu.memory_space<hbm>> -> memref<40000xf32, #tpu.memory_space<hbm>>
      %dma_wait3A_36 = tpu.memref_slice %arg5[%mul3A_33] : memref<1280000xf32, #tpu.memory_space<hbm>> -> memref<40000xf32, #tpu.memory_space<hbm>>
      tpu.wait_dma2 semaphore(%run_scoped3A : memref<!tpu.dma_semaphore, #tpu.memory_space<semaphore_mem>>) src(%arg7 : memref<40000xf32, #tpu.memory_space<vmem>>) dst(%dma_wait3A_36 : memref<40000xf32, #tpu.memory_space<hbm>>)
      tpu.yield
    }) : () -> ()
    return
  }
}

#map = affine_map<(d0, d1) -> (0)>
#map1 = affine_map<(d0, d1) -> (0, 0)>
module attributes {stable_mosaic.version = 14 : i64} {
  func.func @body(%arg0: i32, %arg1: i32, %arg2: memref<1280000xf32, #tpu.memory_space<hbm>>, %arg3: memref<320000xi32, #tpu.memory_space<hbm>>, %arg4: memref<320000xi32, #tpu.memory_space<hbm>>, %arg5: memref<1280000xf32, #tpu.memory_space<hbm>>, %arg6: memref<32x10000xf32, #tpu.memory_space<hbm>>, %arg7: memref<40000xf32, #tpu.memory_space<vmem>>, %arg8: memref<40000xf32, #tpu.memory_space<vmem>>, %arg9: memref<6400xi32, #tpu.memory_space<vmem>>, %arg10: memref<6400xi32, #tpu.memory_space<vmem>>, %arg11: memref<6400xi32, #tpu.memory_space<vmem>>, %arg12: memref<6400xi32, #tpu.memory_space<vmem>>, %arg13: memref<!tpu.dma_semaphore, #tpu.memory_space<semaphore_mem>>, %arg14: memref<!tpu.dma_semaphore, #tpu.memory_space<semaphore_mem>>, %arg15: memref<!tpu.dma_semaphore, #tpu.memory_space<semaphore_mem>>, %arg16: memref<!tpu.dma_semaphore, #tpu.memory_space<semaphore_mem>>, %arg17: memref<10000xf32, #tpu.memory_space<vmem>>, %arg18: memref<10000xi32, #tpu.memory_space<vmem>>) attributes {dimension_semantics = [#tpu.dimension_semantics<core_parallel>, #tpu.dimension_semantics<subcore_parallel>], iteration_bounds = array<i64: 2, 16>, scalar_prefetch = 0 : i64, scratch_operands = 12 : i64, tpu.core_type = #tpu.core_type<sc_vector_subcore>, window_params = [{transform_indices = #map}, {transform_indices = #map}, {transform_indices = #map}, {transform_indices = #map}, {transform_indices = #map1}]} {
    %mul3A = arith.constant 2 : i32
    %mul3A_0 = arith.muli %arg1, %mul3A : i32
    %add3A = arith.addi %mul3A_0, %arg0 : i32
    %mul3A_1 = arith.constant 40000 : i32
    %mul3A_2 = arith.muli %add3A, %mul3A_1 : i32
    "tpu.region"() ({
      %run_scoped3A = tpu.sem_alloc : memref<!tpu.dma_semaphore, #tpu.memory_space<semaphore_mem>>
      %dma_start3A_44 = tpu.memref_slice %arg2[%mul3A_2] : memref<1280000xf32, #tpu.memory_space<hbm>> -> memref<40000xf32, #tpu.memory_space<hbm>>
      %dma_start3A_45 = tpu.memref_slice %arg2[%mul3A_2] : memref<1280000xf32, #tpu.memory_space<hbm>> -> memref<40000xf32, #tpu.memory_space<hbm>>
      tpu.enqueue_dma source(%dma_start3A_45 : memref<40000xf32, #tpu.memory_space<hbm>>) target(%arg7 : memref<40000xf32, #tpu.memory_space<vmem>>) target_semaphore(%run_scoped3A : memref<!tpu.dma_semaphore, #tpu.memory_space<semaphore_mem>>)
      %dma_wait3A = tpu.memref_slice %arg2[%mul3A_2] : memref<1280000xf32, #tpu.memory_space<hbm>> -> memref<40000xf32, #tpu.memory_space<hbm>>
      %dma_wait3A_46 = tpu.memref_slice %arg2[%mul3A_2] : memref<1280000xf32, #tpu.memory_space<hbm>> -> memref<40000xf32, #tpu.memory_space<hbm>>
      tpu.wait_dma2 semaphore(%run_scoped3A : memref<!tpu.dma_semaphore, #tpu.memory_space<semaphore_mem>>) src(%dma_wait3A_46 : memref<40000xf32, #tpu.memory_space<hbm>>) dst(%arg7 : memref<40000xf32, #tpu.memory_space<vmem>>)
      tpu.yield
    }) : () -> ()
    %broadcast_in_dim3A = arith.constant 0.000000e+00 : f32
    %broadcast_in_dim3A_3 = vector.broadcast %broadcast_in_dim3A : f32 to vector<16xf32>
    %scan3A = arith.constant 0 : i32
    %scan3A_4 = arith.constant 0 : i32
    %scan3A_5 = arith.constant 500 : i32
    %scan3A_6 = arith.addi %scan3A_4, %scan3A_5 : i32
    %scan3A_7 = arith.constant 1 : i32
    scf.for %scan3A_44 = %scan3A_4 to %scan3A_6 step %scan3A_7  : i32 {
      %mul3A_45 = arith.constant 80 : i32
      %mul3A_46 = arith.muli %scan3A_44, %mul3A_45 : i32
      %add3A_47 = arith.constant 0 : i32
      %add3A_48 = arith.addi %mul3A_46, %add3A_47 : i32
      %swap3A = arith.index_cast %add3A_48 : i32 to index
      %swap3A_49 = tpu.vector_load %arg8[%swap3A] {strides = array<i32>} : memref<40000xf32, #tpu.memory_space<vmem>>, vector<16xf32>,
      tpu.vector_store %arg8[%swap3A], %broadcast_in_dim3A_3 {strides = array<i32>} : memref<40000xf32, #tpu.memory_space<vmem>>, vector<16xf32>,
      %mul3A_50 = arith.constant 80 : i32
      %mul3A_51 = arith.muli %scan3A_44, %mul3A_50 : i32
      %add3A_52 = arith.constant 16 : i32
      %add3A_53 = arith.addi %mul3A_51, %add3A_52 : i32
      %swap3A_54 = arith.index_cast %add3A_53 : i32 to index
      %swap3A_55 = tpu.vector_load %arg8[%swap3A_54] {strides = array<i32>} : memref<40000xf32, #tpu.memory_space<vmem>>, vector<16xf32>,
      tpu.vector_store %arg8[%swap3A_54], %broadcast_in_dim3A_3 {strides = array<i32>} : memref<40000xf32, #tpu.memory_space<vmem>>, vector<16xf32>,
      %mul3A_56 = arith.constant 80 : i32
      %mul3A_57 = arith.muli %scan3A_44, %mul3A_56 : i32
      %add3A_58 = arith.constant 32 : i32
      %add3A_59 = arith.addi %mul3A_57, %add3A_58 : i32
      %swap3A_60 = arith.index_cast %add3A_59 : i32 to index
      %swap3A_61 = tpu.vector_load %arg8[%swap3A_60] {strides = array<i32>} : memref<40000xf32, #tpu.memory_space<vmem>>, vector<16xf32>,
      tpu.vector_store %arg8[%swap3A_60], %broadcast_in_dim3A_3 {strides = array<i32>} : memref<40000xf32, #tpu.memory_space<vmem>>, vector<16xf32>,
      %mul3A_62 = arith.constant 80 : i32
      %mul3A_63 = arith.muli %scan3A_44, %mul3A_62 : i32
      %add3A_64 = arith.constant 48 : i32
      %add3A_65 = arith.addi %mul3A_63, %add3A_64 : i32
      %swap3A_66 = arith.index_cast %add3A_65 : i32 to index
      %swap3A_67 = tpu.vector_load %arg8[%swap3A_66] {strides = array<i32>} : memref<40000xf32, #tpu.memory_space<vmem>>, vector<16xf32>,
      tpu.vector_store %arg8[%swap3A_66], %broadcast_in_dim3A_3 {strides = array<i32>} : memref<40000xf32, #tpu.memory_space<vmem>>, vector<16xf32>,
      %mul3A_68 = arith.constant 80 : i32
      %mul3A_69 = arith.muli %scan3A_44, %mul3A_68 : i32
      %add3A_70 = arith.constant 64 : i32
      %add3A_71 = arith.addi %mul3A_69, %add3A_70 : i32
      %swap3A_72 = arith.index_cast %add3A_71 : i32 to index
      %swap3A_73 = tpu.vector_load %arg8[%swap3A_72] {strides = array<i32>} : memref<40000xf32, #tpu.memory_space<vmem>>, vector<16xf32>,
      tpu.vector_store %arg8[%swap3A_72], %broadcast_in_dim3A_3 {strides = array<i32>} : memref<40000xf32, #tpu.memory_space<vmem>>, vector<16xf32>,
    }
    %scan3A_8 = arith.constant 500 : i32
    %scan3A_9 = arith.constant 0 : i32
    %scan3A_10 = arith.constant 0 : i32
    %scan3A_11 = arith.constant 125 : i32
    %scan3A_12 = arith.addi %scan3A_10, %scan3A_11 : i32
    %scan3A_13 = arith.constant 1 : i32
    scf.for %scan3A_44 = %scan3A_10 to %scan3A_12 step %scan3A_13  : i32 {
      %mul3A_45 = arith.constant 80 : i32
      %mul3A_46 = arith.muli %scan3A_44, %mul3A_45 : i32
      %add3A_47 = arith.constant 0 : i32
      %add3A_48 = arith.addi %mul3A_46, %add3A_47 : i32
      %swap3A = arith.index_cast %add3A_48 : i32 to index
      %swap3A_49 = tpu.vector_load %arg17[%swap3A] {strides = array<i32>} : memref<10000xf32, #tpu.memory_space<vmem>>, vector<16xf32>,
      tpu.vector_store %arg17[%swap3A], %broadcast_in_dim3A_3 {strides = array<i32>} : memref<10000xf32, #tpu.memory_space<vmem>>, vector<16xf32>,
      %mul3A_50 = arith.constant 80 : i32
      %mul3A_51 = arith.muli %scan3A_44, %mul3A_50 : i32
      %add3A_52 = arith.constant 16 : i32
      %add3A_53 = arith.addi %mul3A_51, %add3A_52 : i32
      %swap3A_54 = arith.index_cast %add3A_53 : i32 to index
      %swap3A_55 = tpu.vector_load %arg17[%swap3A_54] {strides = array<i32>} : memref<10000xf32, #tpu.memory_space<vmem>>, vector<16xf32>,
      tpu.vector_store %arg17[%swap3A_54], %broadcast_in_dim3A_3 {strides = array<i32>} : memref<10000xf32, #tpu.memory_space<vmem>>, vector<16xf32>,
      %mul3A_56 = arith.constant 80 : i32
      %mul3A_57 = arith.muli %scan3A_44, %mul3A_56 : i32
      %add3A_58 = arith.constant 32 : i32
      %add3A_59 = arith.addi %mul3A_57, %add3A_58 : i32
      %swap3A_60 = arith.index_cast %add3A_59 : i32 to index
      %swap3A_61 = tpu.vector_load %arg17[%swap3A_60] {strides = array<i32>} : memref<10000xf32, #tpu.memory_space<vmem>>, vector<16xf32>,
      tpu.vector_store %arg17[%swap3A_60], %broadcast_in_dim3A_3 {strides = array<i32>} : memref<10000xf32, #tpu.memory_space<vmem>>, vector<16xf32>,
      %mul3A_62 = arith.constant 80 : i32
      %mul3A_63 = arith.muli %scan3A_44, %mul3A_62 : i32
      %add3A_64 = arith.constant 48 : i32
      %add3A_65 = arith.addi %mul3A_63, %add3A_64 : i32
      %swap3A_66 = arith.index_cast %add3A_65 : i32 to index
      %swap3A_67 = tpu.vector_load %arg17[%swap3A_66] {strides = array<i32>} : memref<10000xf32, #tpu.memory_space<vmem>>, vector<16xf32>,
      tpu.vector_store %arg17[%swap3A_66], %broadcast_in_dim3A_3 {strides = array<i32>} : memref<10000xf32, #tpu.memory_space<vmem>>, vector<16xf32>,
      %mul3A_68 = arith.constant 80 : i32
      %mul3A_69 = arith.muli %scan3A_44, %mul3A_68 : i32
      %add3A_70 = arith.constant 64 : i32
      %add3A_71 = arith.addi %mul3A_69, %add3A_70 : i32
      %swap3A_72 = arith.index_cast %add3A_71 : i32 to index
      %swap3A_73 = tpu.vector_load %arg17[%swap3A_72] {strides = array<i32>} : memref<10000xf32, #tpu.memory_space<vmem>>, vector<16xf32>,
      tpu.vector_store %arg17[%swap3A_72], %broadcast_in_dim3A_3 {strides = array<i32>} : memref<10000xf32, #tpu.memory_space<vmem>>, vector<16xf32>,
    }
    %scan3A_14 = arith.constant 125 : i32
    %broadcast_in_dim3A_15 = arith.constant 1.000000e+00 : f32
    %broadcast_in_dim3A_16 = vector.broadcast %broadcast_in_dim3A_15 : f32 to vector<16xf32>
    %dma_start3A = arith.constant 0 : i32
    %dma_start3A_17 = tpu.memref_slice %arg3[%dma_start3A] : memref<320000xi32, #tpu.memory_space<hbm>> -> memref<6400xi32, #tpu.memory_space<hbm>>
    %dma_start3A_18 = arith.constant 0 : i32
    %dma_start3A_19 = tpu.memref_slice %arg3[%dma_start3A_18] : memref<320000xi32, #tpu.memory_space<hbm>> -> memref<6400xi32, #tpu.memory_space<hbm>>
    tpu.enqueue_dma source(%dma_start3A_19 : memref<6400xi32, #tpu.memory_space<hbm>>) target(%arg9 : memref<6400xi32, #tpu.memory_space<vmem>>) target_semaphore(%arg13 : memref<!tpu.dma_semaphore, #tpu.memory_space<semaphore_mem>>)
    %dma_start3A_20 = arith.constant 0 : i32
    %dma_start3A_21 = tpu.memref_slice %arg4[%dma_start3A_20] : memref<320000xi32, #tpu.memory_space<hbm>> -> memref<6400xi32, #tpu.memory_space<hbm>>
    %dma_start3A_22 = arith.constant 0 : i32
    %dma_start3A_23 = tpu.memref_slice %arg4[%dma_start3A_22] : memref<320000xi32, #tpu.memory_space<hbm>> -> memref<6400xi32, #tpu.memory_space<hbm>>
    tpu.enqueue_dma source(%dma_start3A_23 : memref<6400xi32, #tpu.memory_space<hbm>>) target(%arg10 : memref<6400xi32, #tpu.memory_space<vmem>>) target_semaphore(%arg14 : memref<!tpu.dma_semaphore, #tpu.memory_space<semaphore_mem>>)
    %dma_start3A_24 = arith.constant 6400 : i32
    %dma_start3A_25 = tpu.memref_slice %arg3[%dma_start3A_24] : memref<320000xi32, #tpu.memory_space<hbm>> -> memref<6400xi32, #tpu.memory_space<hbm>>
    %dma_start3A_26 = arith.constant 6400 : i32
    %dma_start3A_27 = tpu.memref_slice %arg3[%dma_start3A_26] : memref<320000xi32, #tpu.memory_space<hbm>> -> memref<6400xi32, #tpu.memory_space<hbm>>
    tpu.enqueue_dma source(%dma_start3A_27 : memref<6400xi32, #tpu.memory_space<hbm>>) target(%arg11 : memref<6400xi32, #tpu.memory_space<vmem>>) target_semaphore(%arg15 : memref<!tpu.dma_semaphore, #tpu.memory_space<semaphore_mem>>)
    %dma_start3A_28 = arith.constant 6400 : i32
    %dma_start3A_29 = tpu.memref_slice %arg4[%dma_start3A_28] : memref<320000xi32, #tpu.memory_space<hbm>> -> memref<6400xi32, #tpu.memory_space<hbm>>
    %dma_start3A_30 = arith.constant 6400 : i32
    %dma_start3A_31 = tpu.memref_slice %arg4[%dma_start3A_30] : memref<320000xi32, #tpu.memory_space<hbm>> -> memref<6400xi32, #tpu.memory_space<hbm>>
    tpu.enqueue_dma source(%dma_start3A_31 : memref<6400xi32, #tpu.memory_space<hbm>>) target(%arg12 : memref<6400xi32, #tpu.memory_space<vmem>>) target_semaphore(%arg16 : memref<!tpu.dma_semaphore, #tpu.memory_space<semaphore_mem>>)
    %scan3A_32 = arith.constant 0 : i32
    %scan3A_33 = arith.constant 0 : i32
    %scan3A_34 = arith.constant 25 : i32
    %scan3A_35 = arith.addi %scan3A_33, %scan3A_34 : i32
    %scan3A_36 = arith.constant 1 : i32
    scf.for %scan3A_44 = %scan3A_33 to %scan3A_35 step %scan3A_36  : i32 {
      %mul3A_45 = arith.constant 2 : i32
      %mul3A_46 = arith.muli %scan3A_44, %mul3A_45 : i32
      %add3A_47 = arith.constant 0 : i32
      %add3A_48 = arith.addi %mul3A_46, %add3A_47 : i32
      %dma_wait3A = arith.constant 0 : i32
      %dma_wait3A_49 = tpu.memref_slice %arg3[%dma_wait3A] : memref<320000xi32, #tpu.memory_space<hbm>> -> memref<6400xi32, #tpu.memory_space<hbm>>
      %dma_wait3A_50 = arith.constant 0 : i32
      %dma_wait3A_51 = tpu.memref_slice %arg3[%dma_wait3A_50] : memref<320000xi32, #tpu.memory_space<hbm>> -> memref<6400xi32, #tpu.memory_space<hbm>>
      tpu.wait_dma2 semaphore(%arg13 : memref<!tpu.dma_semaphore, #tpu.memory_space<semaphore_mem>>) src(%dma_wait3A_51 : memref<6400xi32, #tpu.memory_space<hbm>>) dst(%arg9 : memref<6400xi32, #tpu.memory_space<vmem>>)
      %dma_wait3A_52 = arith.constant 0 : i32
      %dma_wait3A_53 = tpu.memref_slice %arg4[%dma_wait3A_52] : memref<320000xi32, #tpu.memory_space<hbm>> -> memref<6400xi32, #tpu.memory_space<hbm>>
      %dma_wait3A_54 = arith.constant 0 : i32
      %dma_wait3A_55 = tpu.memref_slice %arg4[%dma_wait3A_54] : memref<320000xi32, #tpu.memory_space<hbm>> -> memref<6400xi32, #tpu.memory_space<hbm>>
      tpu.wait_dma2 semaphore(%arg14 : memref<!tpu.dma_semaphore, #tpu.memory_space<semaphore_mem>>) src(%dma_wait3A_55 : memref<6400xi32, #tpu.memory_space<hbm>>) dst(%arg10 : memref<6400xi32, #tpu.memory_space<vmem>>)
      %parallel_loop3A_56 = arith.constant 0 : i32
      %parallel_loop3A_57 = arith.constant 100 : i32
      %parallel_loop3A_58 = arith.constant 1 : i32
      scf.for %parallel_loop3A_85 = %parallel_loop3A_56 to %parallel_loop3A_57 step %parallel_loop3A_58  : i32 {
        %parallel_loop3A_86 = arith.constant 64 : i32
        %parallel_loop3A_87 = arith.muli %parallel_loop3A_85, %parallel_loop3A_86 : i32
        %parallel_loop3A_88 = arith.constant 0 : i32
        %parallel_loop3A_89 = arith.addi %parallel_loop3A_87, %parallel_loop3A_88 : i32
        %parallel_loop3A_90 = arith.index_cast %parallel_loop3A_89 : i32 to index
        %parallel_loop3A_91 = tpu.vector_load %arg9[%parallel_loop3A_90] {strides = array<i32>} : memref<6400xi32, #tpu.memory_space<vmem>>, vector<16xi32>,
        %parallel_loop3A_92 = arith.constant 16 : i32
        %parallel_loop3A_93 = arith.addi %parallel_loop3A_87, %parallel_loop3A_92 : i32
        %parallel_loop3A_94 = arith.index_cast %parallel_loop3A_93 : i32 to index
        %parallel_loop3A_95 = tpu.vector_load %arg9[%parallel_loop3A_94] {strides = array<i32>} : memref<6400xi32, #tpu.memory_space<vmem>>, vector<16xi32>,
        %parallel_loop3A_96 = arith.constant 32 : i32
        %parallel_loop3A_97 = arith.addi %parallel_loop3A_87, %parallel_loop3A_96 : i32
        %parallel_loop3A_98 = arith.index_cast %parallel_loop3A_97 : i32 to index
        %parallel_loop3A_99 = tpu.vector_load %arg9[%parallel_loop3A_98] {strides = array<i32>} : memref<6400xi32, #tpu.memory_space<vmem>>, vector<16xi32>,
        %parallel_loop3A_100 = arith.constant 48 : i32
        %parallel_loop3A_101 = arith.addi %parallel_loop3A_87, %parallel_loop3A_100 : i32
        %parallel_loop3A_102 = arith.index_cast %parallel_loop3A_101 : i32 to index
        %parallel_loop3A_103 = tpu.vector_load %arg9[%parallel_loop3A_102] {strides = array<i32>} : memref<6400xi32, #tpu.memory_space<vmem>>, vector<16xi32>,
        %parallel_loop3A_104 = arith.constant 0 : i32
        %parallel_loop3A_105 = arith.addi %parallel_loop3A_87, %parallel_loop3A_104 : i32
        %parallel_loop3A_106 = arith.index_cast %parallel_loop3A_105 : i32 to index
        %parallel_loop3A_107 = tpu.vector_load %arg10[%parallel_loop3A_106] {strides = array<i32>} : memref<6400xi32, #tpu.memory_space<vmem>>, vector<16xi32>,
        %parallel_loop3A_108 = arith.constant 16 : i32
        %parallel_loop3A_109 = arith.addi %parallel_loop3A_87, %parallel_loop3A_108 : i32
        %parallel_loop3A_110 = arith.index_cast %parallel_loop3A_109 : i32 to index
        %parallel_loop3A_111 = tpu.vector_load %arg10[%parallel_loop3A_110] {strides = array<i32>} : memref<6400xi32, #tpu.memory_space<vmem>>, vector<16xi32>,
        %parallel_loop3A_112 = arith.constant 32 : i32
        %parallel_loop3A_113 = arith.addi %parallel_loop3A_87, %parallel_loop3A_112 : i32
        %parallel_loop3A_114 = arith.index_cast %parallel_loop3A_113 : i32 to index
        %parallel_loop3A_115 = tpu.vector_load %arg10[%parallel_loop3A_114] {strides = array<i32>} : memref<6400xi32, #tpu.memory_space<vmem>>, vector<16xi32>,
        %parallel_loop3A_116 = arith.constant 48 : i32
        %parallel_loop3A_117 = arith.addi %parallel_loop3A_87, %parallel_loop3A_116 : i32
        %parallel_loop3A_118 = arith.index_cast %parallel_loop3A_117 : i32 to index
        %parallel_loop3A_119 = tpu.vector_load %arg10[%parallel_loop3A_118] {strides = array<i32>} : memref<6400xi32, #tpu.memory_space<vmem>>, vector<16xi32>,
        %parallel_loop3A_120 = arith.constant 0 : i32
        %parallel_loop3A_121 = vector.broadcast %parallel_loop3A_120 : i32 to vector<16xi32>
        %parallel_loop3A_122 = arith.addi %parallel_loop3A_91, %parallel_loop3A_121 : vector<16xi32>
        %parallel_loop3A_123 = tpu.vector_load_idx %arg7[%parallel_loop3A_122] : memref<40000xf32, #tpu.memory_space<vmem>>[vector<16xi32>], vector<16xf32>,
        %parallel_loop3A_124 = arith.constant 10000 : i32
        %parallel_loop3A_125 = vector.broadcast %parallel_loop3A_124 : i32 to vector<16xi32>
        %parallel_loop3A_126 = arith.addi %parallel_loop3A_91, %parallel_loop3A_125 : vector<16xi32>
        %parallel_loop3A_127 = tpu.vector_load_idx %arg7[%parallel_loop3A_126] : memref<40000xf32, #tpu.memory_space<vmem>>[vector<16xi32>], vector<16xf32>,
        %parallel_loop3A_128 = arith.constant 20000 : i32
        %parallel_loop3A_129 = vector.broadcast %parallel_loop3A_128 : i32 to vector<16xi32>
        %parallel_loop3A_130 = arith.addi %parallel_loop3A_91, %parallel_loop3A_129 : vector<16xi32>
        %parallel_loop3A_131 = tpu.vector_load_idx %arg7[%parallel_loop3A_130] : memref<40000xf32, #tpu.memory_space<vmem>>[vector<16xi32>], vector<16xf32>,
        %parallel_loop3A_132 = arith.constant 30000 : i32
        %parallel_loop3A_133 = vector.broadcast %parallel_loop3A_132 : i32 to vector<16xi32>
        %parallel_loop3A_134 = arith.addi %parallel_loop3A_91, %parallel_loop3A_133 : vector<16xi32>
        %parallel_loop3A_135 = tpu.vector_load_idx %arg7[%parallel_loop3A_134] : memref<40000xf32, #tpu.memory_space<vmem>>[vector<16xi32>], vector<16xf32>,
        %parallel_loop3A_136 = arith.constant 0 : i32
        %parallel_loop3A_137 = vector.broadcast %parallel_loop3A_136 : i32 to vector<16xi32>
        %parallel_loop3A_138 = arith.addi %parallel_loop3A_95, %parallel_loop3A_137 : vector<16xi32>
        %parallel_loop3A_139 = tpu.vector_load_idx %arg7[%parallel_loop3A_138] : memref<40000xf32, #tpu.memory_space<vmem>>[vector<16xi32>], vector<16xf32>,
        %parallel_loop3A_140 = arith.constant 10000 : i32
        %parallel_loop3A_141 = vector.broadcast %parallel_loop3A_140 : i32 to vector<16xi32>
        %parallel_loop3A_142 = arith.addi %parallel_loop3A_95, %parallel_loop3A_141 : vector<16xi32>
        %parallel_loop3A_143 = tpu.vector_load_idx %arg7[%parallel_loop3A_142] : memref<40000xf32, #tpu.memory_space<vmem>>[vector<16xi32>], vector<16xf32>,
        %parallel_loop3A_144 = arith.constant 20000 : i32
        %parallel_loop3A_145 = vector.broadcast %parallel_loop3A_144 : i32 to vector<16xi32>
        %parallel_loop3A_146 = arith.addi %parallel_loop3A_95, %parallel_loop3A_145 : vector<16xi32>
        %parallel_loop3A_147 = tpu.vector_load_idx %arg7[%parallel_loop3A_146] : memref<40000xf32, #tpu.memory_space<vmem>>[vector<16xi32>], vector<16xf32>,
        %parallel_loop3A_148 = arith.constant 30000 : i32
        %parallel_loop3A_149 = vector.broadcast %parallel_loop3A_148 : i32 to vector<16xi32>
        %parallel_loop3A_150 = arith.addi %parallel_loop3A_95, %parallel_loop3A_149 : vector<16xi32>
        %parallel_loop3A_151 = tpu.vector_load_idx %arg7[%parallel_loop3A_150] : memref<40000xf32, #tpu.memory_space<vmem>>[vector<16xi32>], vector<16xf32>,
        %parallel_loop3A_152 = arith.constant 0 : i32
        %parallel_loop3A_153 = vector.broadcast %parallel_loop3A_152 : i32 to vector<16xi32>
        %parallel_loop3A_154 = arith.addi %parallel_loop3A_99, %parallel_loop3A_153 : vector<16xi32>
        %parallel_loop3A_155 = tpu.vector_load_idx %arg7[%parallel_loop3A_154] : memref<40000xf32, #tpu.memory_space<vmem>>[vector<16xi32>], vector<16xf32>,
        %parallel_loop3A_156 = arith.constant 10000 : i32
        %parallel_loop3A_157 = vector.broadcast %parallel_loop3A_156 : i32 to vector<16xi32>
        %parallel_loop3A_158 = arith.addi %parallel_loop3A_99, %parallel_loop3A_157 : vector<16xi32>
        %parallel_loop3A_159 = tpu.vector_load_idx %arg7[%parallel_loop3A_158] : memref<40000xf32, #tpu.memory_space<vmem>>[vector<16xi32>], vector<16xf32>,
        %parallel_loop3A_160 = arith.constant 20000 : i32
        %parallel_loop3A_161 = vector.broadcast %parallel_loop3A_160 : i32 to vector<16xi32>
        %parallel_loop3A_162 = arith.addi %parallel_loop3A_99, %parallel_loop3A_161 : vector<16xi32>
        %parallel_loop3A_163 = tpu.vector_load_idx %arg7[%parallel_loop3A_162] : memref<40000xf32, #tpu.memory_space<vmem>>[vector<16xi32>], vector<16xf32>,
        %parallel_loop3A_164 = arith.constant 30000 : i32
        %parallel_loop3A_165 = vector.broadcast %parallel_loop3A_164 : i32 to vector<16xi32>
        %parallel_loop3A_166 = arith.addi %parallel_loop3A_99, %parallel_loop3A_165 : vector<16xi32>
        %parallel_loop3A_167 = tpu.vector_load_idx %arg7[%parallel_loop3A_166] : memref<40000xf32, #tpu.memory_space<vmem>>[vector<16xi32>], vector<16xf32>,
        %parallel_loop3A_168 = arith.constant 0 : i32
        %parallel_loop3A_169 = vector.broadcast %parallel_loop3A_168 : i32 to vector<16xi32>
        %parallel_loop3A_170 = arith.addi %parallel_loop3A_103, %parallel_loop3A_169 : vector<16xi32>
        %parallel_loop3A_171 = tpu.vector_load_idx %arg7[%parallel_loop3A_170] : memref<40000xf32, #tpu.memory_space<vmem>>[vector<16xi32>], vector<16xf32>,
        %parallel_loop3A_172 = arith.constant 10000 : i32
        %parallel_loop3A_173 = vector.broadcast %parallel_loop3A_172 : i32 to vector<16xi32>
        %parallel_loop3A_174 = arith.addi %parallel_loop3A_103, %parallel_loop3A_173 : vector<16xi32>
        %parallel_loop3A_175 = tpu.vector_load_idx %arg7[%parallel_loop3A_174] : memref<40000xf32, #tpu.memory_space<vmem>>[vector<16xi32>], vector<16xf32>,
        %parallel_loop3A_176 = arith.constant 20000 : i32
        %parallel_loop3A_177 = vector.broadcast %parallel_loop3A_176 : i32 to vector<16xi32>
        %parallel_loop3A_178 = arith.addi %parallel_loop3A_103, %parallel_loop3A_177 : vector<16xi32>
        %parallel_loop3A_179 = tpu.vector_load_idx %arg7[%parallel_loop3A_178] : memref<40000xf32, #tpu.memory_space<vmem>>[vector<16xi32>], vector<16xf32>,
        %parallel_loop3A_180 = arith.constant 30000 : i32
        %parallel_loop3A_181 = vector.broadcast %parallel_loop3A_180 : i32 to vector<16xi32>
        %parallel_loop3A_182 = arith.addi %parallel_loop3A_103, %parallel_loop3A_181 : vector<16xi32>
        %parallel_loop3A_183 = tpu.vector_load_idx %arg7[%parallel_loop3A_182] : memref<40000xf32, #tpu.memory_space<vmem>>[vector<16xi32>], vector<16xf32>,
        %parallel_loop3A_184 = arith.constant 0 : i32
        %parallel_loop3A_185 = vector.broadcast %parallel_loop3A_184 : i32 to vector<16xi32>
        %parallel_loop3A_186 = arith.addi %parallel_loop3A_107, %parallel_loop3A_185 : vector<16xi32>
        tpu.vector_store_idx %arg8[%parallel_loop3A_186], %parallel_loop3A_123 {add = true} : memref<40000xf32, #tpu.memory_space<vmem>>[vector<16xi32>], vector<16xf32>,
        %parallel_loop3A_187 = arith.constant 10000 : i32
        %parallel_loop3A_188 = vector.broadcast %parallel_loop3A_187 : i32 to vector<16xi32>
        %parallel_loop3A_189 = arith.addi %parallel_loop3A_107, %parallel_loop3A_188 : vector<16xi32>
        tpu.vector_store_idx %arg8[%parallel_loop3A_189], %parallel_loop3A_127 {add = true} : memref<40000xf32, #tpu.memory_space<vmem>>[vector<16xi32>], vector<16xf32>,
        %parallel_loop3A_190 = arith.constant 20000 : i32
        %parallel_loop3A_191 = vector.broadcast %parallel_loop3A_190 : i32 to vector<16xi32>
        %parallel_loop3A_192 = arith.addi %parallel_loop3A_107, %parallel_loop3A_191 : vector<16xi32>
        tpu.vector_store_idx %arg8[%parallel_loop3A_192], %parallel_loop3A_131 {add = true} : memref<40000xf32, #tpu.memory_space<vmem>>[vector<16xi32>], vector<16xf32>,
        %parallel_loop3A_193 = arith.constant 30000 : i32
        %parallel_loop3A_194 = vector.broadcast %parallel_loop3A_193 : i32 to vector<16xi32>
        %parallel_loop3A_195 = arith.addi %parallel_loop3A_107, %parallel_loop3A_194 : vector<16xi32>
        tpu.vector_store_idx %arg8[%parallel_loop3A_195], %parallel_loop3A_135 {add = true} : memref<40000xf32, #tpu.memory_space<vmem>>[vector<16xi32>], vector<16xf32>,
        %parallel_loop3A_196 = arith.constant 0 : i32
        %parallel_loop3A_197 = vector.broadcast %parallel_loop3A_196 : i32 to vector<16xi32>
        %parallel_loop3A_198 = arith.addi %parallel_loop3A_111, %parallel_loop3A_197 : vector<16xi32>
        tpu.vector_store_idx %arg8[%parallel_loop3A_198], %parallel_loop3A_139 {add = true} : memref<40000xf32, #tpu.memory_space<vmem>>[vector<16xi32>], vector<16xf32>,
        %parallel_loop3A_199 = arith.constant 10000 : i32
        %parallel_loop3A_200 = vector.broadcast %parallel_loop3A_199 : i32 to vector<16xi32>
        %parallel_loop3A_201 = arith.addi %parallel_loop3A_111, %parallel_loop3A_200 : vector<16xi32>
        tpu.vector_store_idx %arg8[%parallel_loop3A_201], %parallel_loop3A_143 {add = true} : memref<40000xf32, #tpu.memory_space<vmem>>[vector<16xi32>], vector<16xf32>,
        %parallel_loop3A_202 = arith.constant 20000 : i32
        %parallel_loop3A_203 = vector.broadcast %parallel_loop3A_202 : i32 to vector<16xi32>
        %parallel_loop3A_204 = arith.addi %parallel_loop3A_111, %parallel_loop3A_203 : vector<16xi32>
        tpu.vector_store_idx %arg8[%parallel_loop3A_204], %parallel_loop3A_147 {add = true} : memref<40000xf32, #tpu.memory_space<vmem>>[vector<16xi32>], vector<16xf32>,
        %parallel_loop3A_205 = arith.constant 30000 : i32
        %parallel_loop3A_206 = vector.broadcast %parallel_loop3A_205 : i32 to vector<16xi32>
        %parallel_loop3A_207 = arith.addi %parallel_loop3A_111, %parallel_loop3A_206 : vector<16xi32>
        tpu.vector_store_idx %arg8[%parallel_loop3A_207], %parallel_loop3A_151 {add = true} : memref<40000xf32, #tpu.memory_space<vmem>>[vector<16xi32>], vector<16xf32>,
        %parallel_loop3A_208 = arith.constant 0 : i32
        %parallel_loop3A_209 = vector.broadcast %parallel_loop3A_208 : i32 to vector<16xi32>
        %parallel_loop3A_210 = arith.addi %parallel_loop3A_115, %parallel_loop3A_209 : vector<16xi32>
        tpu.vector_store_idx %arg8[%parallel_loop3A_210], %parallel_loop3A_155 {add = true} : memref<40000xf32, #tpu.memory_space<vmem>>[vector<16xi32>], vector<16xf32>,
        %parallel_loop3A_211 = arith.constant 10000 : i32
        %parallel_loop3A_212 = vector.broadcast %parallel_loop3A_211 : i32 to vector<16xi32>
        %parallel_loop3A_213 = arith.addi %parallel_loop3A_115, %parallel_loop3A_212 : vector<16xi32>
        tpu.vector_store_idx %arg8[%parallel_loop3A_213], %parallel_loop3A_159 {add = true} : memref<40000xf32, #tpu.memory_space<vmem>>[vector<16xi32>], vector<16xf32>,
        %parallel_loop3A_214 = arith.constant 20000 : i32
        %parallel_loop3A_215 = vector.broadcast %parallel_loop3A_214 : i32 to vector<16xi32>
        %parallel_loop3A_216 = arith.addi %parallel_loop3A_115, %parallel_loop3A_215 : vector<16xi32>
        tpu.vector_store_idx %arg8[%parallel_loop3A_216], %parallel_loop3A_163 {add = true} : memref<40000xf32, #tpu.memory_space<vmem>>[vector<16xi32>], vector<16xf32>,
        %parallel_loop3A_217 = arith.constant 30000 : i32
        %parallel_loop3A_218 = vector.broadcast %parallel_loop3A_217 : i32 to vector<16xi32>
        %parallel_loop3A_219 = arith.addi %parallel_loop3A_115, %parallel_loop3A_218 : vector<16xi32>
        tpu.vector_store_idx %arg8[%parallel_loop3A_219], %parallel_loop3A_167 {add = true} : memref<40000xf32, #tpu.memory_space<vmem>>[vector<16xi32>], vector<16xf32>,
        %parallel_loop3A_220 = arith.constant 0 : i32
        %parallel_loop3A_221 = vector.broadcast %parallel_loop3A_220 : i32 to vector<16xi32>
        %parallel_loop3A_222 = arith.addi %parallel_loop3A_119, %parallel_loop3A_221 : vector<16xi32>
        tpu.vector_store_idx %arg8[%parallel_loop3A_222], %parallel_loop3A_171 {add = true} : memref<40000xf32, #tpu.memory_space<vmem>>[vector<16xi32>], vector<16xf32>,
        %parallel_loop3A_223 = arith.constant 10000 : i32
        %parallel_loop3A_224 = vector.broadcast %parallel_loop3A_223 : i32 to vector<16xi32>
        %parallel_loop3A_225 = arith.addi %parallel_loop3A_119, %parallel_loop3A_224 : vector<16xi32>
        tpu.vector_store_idx %arg8[%parallel_loop3A_225], %parallel_loop3A_175 {add = true} : memref<40000xf32, #tpu.memory_space<vmem>>[vector<16xi32>], vector<16xf32>,
        %parallel_loop3A_226 = arith.constant 20000 : i32
        %parallel_loop3A_227 = vector.broadcast %parallel_loop3A_226 : i32 to vector<16xi32>
        %parallel_loop3A_228 = arith.addi %parallel_loop3A_119, %parallel_loop3A_227 : vector<16xi32>
        tpu.vector_store_idx %arg8[%parallel_loop3A_228], %parallel_loop3A_179 {add = true} : memref<40000xf32, #tpu.memory_space<vmem>>[vector<16xi32>], vector<16xf32>,
        %parallel_loop3A_229 = arith.constant 30000 : i32
        %parallel_loop3A_230 = vector.broadcast %parallel_loop3A_229 : i32 to vector<16xi32>
        %parallel_loop3A_231 = arith.addi %parallel_loop3A_119, %parallel_loop3A_230 : vector<16xi32>
        tpu.vector_store_idx %arg8[%parallel_loop3A_231], %parallel_loop3A_183 {add = true} : memref<40000xf32, #tpu.memory_space<vmem>>[vector<16xi32>], vector<16xf32>,
      } {sc.loop_unroll_factor = 1 : i64, sc.parallel_access}
      %add3A_59 = arith.constant 2 : i32
      %add3A_60 = arith.addi %add3A_48, %add3A_59 : i32
      %lt3A = arith.constant 50 : i32
      %lt3A_61 = arith.cmpi slt, %add3A_60, %lt3A : i32
      %convert_element_type3A = arith.extui %lt3A_61 : i1 to i32
      %cond3A = arith.constant 0 : i32
      %cond3A_62 = arith.cmpi ne, %convert_element_type3A, %cond3A : i32
      scf.if %cond3A_62 {
        %add3A_85 = arith.constant 2 : i32
        %add3A_86 = arith.addi %add3A_48, %add3A_85 : i32
        %mul3A_87 = arith.constant 6400 : i32
        %mul3A_88 = arith.muli %add3A_86, %mul3A_87 : i32
        %dma_start3A_89 = tpu.memref_slice %arg3[%mul3A_88] : memref<320000xi32, #tpu.memory_space<hbm>> -> memref<6400xi32, #tpu.memory_space<hbm>>
        %dma_start3A_90 = tpu.memref_slice %arg3[%mul3A_88] : memref<320000xi32, #tpu.memory_space<hbm>> -> memref<6400xi32, #tpu.memory_space<hbm>>
        tpu.enqueue_dma source(%dma_start3A_90 : memref<6400xi32, #tpu.memory_space<hbm>>) target(%arg9 : memref<6400xi32, #tpu.memory_space<vmem>>) target_semaphore(%arg13 : memref<!tpu.dma_semaphore, #tpu.memory_space<semaphore_mem>>)
        %mul3A_91 = arith.constant 6400 : i32
        %mul3A_92 = arith.muli %add3A_86, %mul3A_91 : i32
        %dma_start3A_93 = tpu.memref_slice %arg4[%mul3A_92] : memref<320000xi32, #tpu.memory_space<hbm>> -> memref<6400xi32, #tpu.memory_space<hbm>>
        %dma_start3A_94 = tpu.memref_slice %arg4[%mul3A_92] : memref<320000xi32, #tpu.memory_space<hbm>> -> memref<6400xi32, #tpu.memory_space<hbm>>
        tpu.enqueue_dma source(%dma_start3A_94 : memref<6400xi32, #tpu.memory_space<hbm>>) target(%arg10 : memref<6400xi32, #tpu.memory_space<vmem>>) target_semaphore(%arg14 : memref<!tpu.dma_semaphore, #tpu.memory_space<semaphore_mem>>)
      } else {
      }
      %mul3A_63 = arith.constant 2 : i32
      %mul3A_64 = arith.muli %scan3A_44, %mul3A_63 : i32
      %add3A_65 = arith.constant 1 : i32
      %add3A_66 = arith.addi %mul3A_64, %add3A_65 : i32
      %dma_wait3A_67 = arith.constant 0 : i32
      %dma_wait3A_68 = tpu.memref_slice %arg3[%dma_wait3A_67] : memref<320000xi32, #tpu.memory_space<hbm>> -> memref<6400xi32, #tpu.memory_space<hbm>>
      %dma_wait3A_69 = arith.constant 0 : i32
      %dma_wait3A_70 = tpu.memref_slice %arg3[%dma_wait3A_69] : memref<320000xi32, #tpu.memory_space<hbm>> -> memref<6400xi32, #tpu.memory_space<hbm>>
      tpu.wait_dma2 semaphore(%arg15 : memref<!tpu.dma_semaphore, #tpu.memory_space<semaphore_mem>>) src(%dma_wait3A_70 : memref<6400xi32, #tpu.memory_space<hbm>>) dst(%arg11 : memref<6400xi32, #tpu.memory_space<vmem>>)
      %dma_wait3A_71 = arith.constant 0 : i32
      %dma_wait3A_72 = tpu.memref_slice %arg4[%dma_wait3A_71] : memref<320000xi32, #tpu.memory_space<hbm>> -> memref<6400xi32, #tpu.memory_space<hbm>>
      %dma_wait3A_73 = arith.constant 0 : i32
      %dma_wait3A_74 = tpu.memref_slice %arg4[%dma_wait3A_73] : memref<320000xi32, #tpu.memory_space<hbm>> -> memref<6400xi32, #tpu.memory_space<hbm>>
      tpu.wait_dma2 semaphore(%arg16 : memref<!tpu.dma_semaphore, #tpu.memory_space<semaphore_mem>>) src(%dma_wait3A_74 : memref<6400xi32, #tpu.memory_space<hbm>>) dst(%arg12 : memref<6400xi32, #tpu.memory_space<vmem>>)
      %parallel_loop3A_75 = arith.constant 0 : i32
      %parallel_loop3A_76 = arith.constant 100 : i32
      %parallel_loop3A_77 = arith.constant 1 : i32
      scf.for %parallel_loop3A_85 = %parallel_loop3A_75 to %parallel_loop3A_76 step %parallel_loop3A_77  : i32 {
        %parallel_loop3A_86 = arith.constant 64 : i32
        %parallel_loop3A_87 = arith.muli %parallel_loop3A_85, %parallel_loop3A_86 : i32
        %parallel_loop3A_88 = arith.constant 0 : i32
        %parallel_loop3A_89 = arith.addi %parallel_loop3A_87, %parallel_loop3A_88 : i32
        %parallel_loop3A_90 = arith.index_cast %parallel_loop3A_89 : i32 to index
        %parallel_loop3A_91 = tpu.vector_load %arg11[%parallel_loop3A_90] {strides = array<i32>} : memref<6400xi32, #tpu.memory_space<vmem>>, vector<16xi32>,
        %parallel_loop3A_92 = arith.constant 16 : i32
        %parallel_loop3A_93 = arith.addi %parallel_loop3A_87, %parallel_loop3A_92 : i32
        %parallel_loop3A_94 = arith.index_cast %parallel_loop3A_93 : i32 to index
        %parallel_loop3A_95 = tpu.vector_load %arg11[%parallel_loop3A_94] {strides = array<i32>} : memref<6400xi32, #tpu.memory_space<vmem>>, vector<16xi32>,
        %parallel_loop3A_96 = arith.constant 32 : i32
        %parallel_loop3A_97 = arith.addi %parallel_loop3A_87, %parallel_loop3A_96 : i32
        %parallel_loop3A_98 = arith.index_cast %parallel_loop3A_97 : i32 to index
        %parallel_loop3A_99 = tpu.vector_load %arg11[%parallel_loop3A_98] {strides = array<i32>} : memref<6400xi32, #tpu.memory_space<vmem>>, vector<16xi32>,
        %parallel_loop3A_100 = arith.constant 48 : i32
        %parallel_loop3A_101 = arith.addi %parallel_loop3A_87, %parallel_loop3A_100 : i32
        %parallel_loop3A_102 = arith.index_cast %parallel_loop3A_101 : i32 to index
        %parallel_loop3A_103 = tpu.vector_load %arg11[%parallel_loop3A_102] {strides = array<i32>} : memref<6400xi32, #tpu.memory_space<vmem>>, vector<16xi32>,
        %parallel_loop3A_104 = arith.constant 0 : i32
        %parallel_loop3A_105 = arith.addi %parallel_loop3A_87, %parallel_loop3A_104 : i32
        %parallel_loop3A_106 = arith.index_cast %parallel_loop3A_105 : i32 to index
        %parallel_loop3A_107 = tpu.vector_load %arg12[%parallel_loop3A_106] {strides = array<i32>} : memref<6400xi32, #tpu.memory_space<vmem>>, vector<16xi32>,
        %parallel_loop3A_108 = arith.constant 16 : i32
        %parallel_loop3A_109 = arith.addi %parallel_loop3A_87, %parallel_loop3A_108 : i32
        %parallel_loop3A_110 = arith.index_cast %parallel_loop3A_109 : i32 to index
        %parallel_loop3A_111 = tpu.vector_load %arg12[%parallel_loop3A_110] {strides = array<i32>} : memref<6400xi32, #tpu.memory_space<vmem>>, vector<16xi32>,
        %parallel_loop3A_112 = arith.constant 32 : i32
        %parallel_loop3A_113 = arith.addi %parallel_loop3A_87, %parallel_loop3A_112 : i32
        %parallel_loop3A_114 = arith.index_cast %parallel_loop3A_113 : i32 to index
        %parallel_loop3A_115 = tpu.vector_load %arg12[%parallel_loop3A_114] {strides = array<i32>} : memref<6400xi32, #tpu.memory_space<vmem>>, vector<16xi32>,
        %parallel_loop3A_116 = arith.constant 48 : i32
        %parallel_loop3A_117 = arith.addi %parallel_loop3A_87, %parallel_loop3A_116 : i32
        %parallel_loop3A_118 = arith.index_cast %parallel_loop3A_117 : i32 to index
        %parallel_loop3A_119 = tpu.vector_load %arg12[%parallel_loop3A_118] {strides = array<i32>} : memref<6400xi32, #tpu.memory_space<vmem>>, vector<16xi32>,
        %parallel_loop3A_120 = arith.constant 0 : i32
        %parallel_loop3A_121 = vector.broadcast %parallel_loop3A_120 : i32 to vector<16xi32>
        %parallel_loop3A_122 = arith.addi %parallel_loop3A_91, %parallel_loop3A_121 : vector<16xi32>
        %parallel_loop3A_123 = tpu.vector_load_idx %arg7[%parallel_loop3A_122] : memref<40000xf32, #tpu.memory_space<vmem>>[vector<16xi32>], vector<16xf32>,
        %parallel_loop3A_124 = arith.constant 10000 : i32
        %parallel_loop3A_125 = vector.broadcast %parallel_loop3A_124 : i32 to vector<16xi32>
        %parallel_loop3A_126 = arith.addi %parallel_loop3A_91, %parallel_loop3A_125 : vector<16xi32>
        %parallel_loop3A_127 = tpu.vector_load_idx %arg7[%parallel_loop3A_126] : memref<40000xf32, #tpu.memory_space<vmem>>[vector<16xi32>], vector<16xf32>,
        %parallel_loop3A_128 = arith.constant 20000 : i32
        %parallel_loop3A_129 = vector.broadcast %parallel_loop3A_128 : i32 to vector<16xi32>
        %parallel_loop3A_130 = arith.addi %parallel_loop3A_91, %parallel_loop3A_129 : vector<16xi32>
        %parallel_loop3A_131 = tpu.vector_load_idx %arg7[%parallel_loop3A_130] : memref<40000xf32, #tpu.memory_space<vmem>>[vector<16xi32>], vector<16xf32>,
        %parallel_loop3A_132 = arith.constant 30000 : i32
        %parallel_loop3A_133 = vector.broadcast %parallel_loop3A_132 : i32 to vector<16xi32>
        %parallel_loop3A_134 = arith.addi %parallel_loop3A_91, %parallel_loop3A_133 : vector<16xi32>
        %parallel_loop3A_135 = tpu.vector_load_idx %arg7[%parallel_loop3A_134] : memref<40000xf32, #tpu.memory_space<vmem>>[vector<16xi32>], vector<16xf32>,
        %parallel_loop3A_136 = arith.constant 0 : i32
        %parallel_loop3A_137 = vector.broadcast %parallel_loop3A_136 : i32 to vector<16xi32>
        %parallel_loop3A_138 = arith.addi %parallel_loop3A_95, %parallel_loop3A_137 : vector<16xi32>
        %parallel_loop3A_139 = tpu.vector_load_idx %arg7[%parallel_loop3A_138] : memref<40000xf32, #tpu.memory_space<vmem>>[vector<16xi32>], vector<16xf32>,
        %parallel_loop3A_140 = arith.constant 10000 : i32
        %parallel_loop3A_141 = vector.broadcast %parallel_loop3A_140 : i32 to vector<16xi32>
        %parallel_loop3A_142 = arith.addi %parallel_loop3A_95, %parallel_loop3A_141 : vector<16xi32>
        %parallel_loop3A_143 = tpu.vector_load_idx %arg7[%parallel_loop3A_142] : memref<40000xf32, #tpu.memory_space<vmem>>[vector<16xi32>], vector<16xf32>,
        %parallel_loop3A_144 = arith.constant 20000 : i32
        %parallel_loop3A_145 = vector.broadcast %parallel_loop3A_144 : i32 to vector<16xi32>
        %parallel_loop3A_146 = arith.addi %parallel_loop3A_95, %parallel_loop3A_145 : vector<16xi32>
        %parallel_loop3A_147 = tpu.vector_load_idx %arg7[%parallel_loop3A_146] : memref<40000xf32, #tpu.memory_space<vmem>>[vector<16xi32>], vector<16xf32>,
        %parallel_loop3A_148 = arith.constant 30000 : i32
        %parallel_loop3A_149 = vector.broadcast %parallel_loop3A_148 : i32 to vector<16xi32>
        %parallel_loop3A_150 = arith.addi %parallel_loop3A_95, %parallel_loop3A_149 : vector<16xi32>
        %parallel_loop3A_151 = tpu.vector_load_idx %arg7[%parallel_loop3A_150] : memref<40000xf32, #tpu.memory_space<vmem>>[vector<16xi32>], vector<16xf32>,
        %parallel_loop3A_152 = arith.constant 0 : i32
        %parallel_loop3A_153 = vector.broadcast %parallel_loop3A_152 : i32 to vector<16xi32>
        %parallel_loop3A_154 = arith.addi %parallel_loop3A_99, %parallel_loop3A_153 : vector<16xi32>
        %parallel_loop3A_155 = tpu.vector_load_idx %arg7[%parallel_loop3A_154] : memref<40000xf32, #tpu.memory_space<vmem>>[vector<16xi32>], vector<16xf32>,
        %parallel_loop3A_156 = arith.constant 10000 : i32
        %parallel_loop3A_157 = vector.broadcast %parallel_loop3A_156 : i32 to vector<16xi32>
        %parallel_loop3A_158 = arith.addi %parallel_loop3A_99, %parallel_loop3A_157 : vector<16xi32>
        %parallel_loop3A_159 = tpu.vector_load_idx %arg7[%parallel_loop3A_158] : memref<40000xf32, #tpu.memory_space<vmem>>[vector<16xi32>], vector<16xf32>,
        %parallel_loop3A_160 = arith.constant 20000 : i32
        %parallel_loop3A_161 = vector.broadcast %parallel_loop3A_160 : i32 to vector<16xi32>
        %parallel_loop3A_162 = arith.addi %parallel_loop3A_99, %parallel_loop3A_161 : vector<16xi32>
        %parallel_loop3A_163 = tpu.vector_load_idx %arg7[%parallel_loop3A_162] : memref<40000xf32, #tpu.memory_space<vmem>>[vector<16xi32>], vector<16xf32>,
        %parallel_loop3A_164 = arith.constant 30000 : i32
        %parallel_loop3A_165 = vector.broadcast %parallel_loop3A_164 : i32 to vector<16xi32>
        %parallel_loop3A_166 = arith.addi %parallel_loop3A_99, %parallel_loop3A_165 : vector<16xi32>
        %parallel_loop3A_167 = tpu.vector_load_idx %arg7[%parallel_loop3A_166] : memref<40000xf32, #tpu.memory_space<vmem>>[vector<16xi32>], vector<16xf32>,
        %parallel_loop3A_168 = arith.constant 0 : i32
        %parallel_loop3A_169 = vector.broadcast %parallel_loop3A_168 : i32 to vector<16xi32>
        %parallel_loop3A_170 = arith.addi %parallel_loop3A_103, %parallel_loop3A_169 : vector<16xi32>
        %parallel_loop3A_171 = tpu.vector_load_idx %arg7[%parallel_loop3A_170] : memref<40000xf32, #tpu.memory_space<vmem>>[vector<16xi32>], vector<16xf32>,
        %parallel_loop3A_172 = arith.constant 10000 : i32
        %parallel_loop3A_173 = vector.broadcast %parallel_loop3A_172 : i32 to vector<16xi32>
        %parallel_loop3A_174 = arith.addi %parallel_loop3A_103, %parallel_loop3A_173 : vector<16xi32>
        %parallel_loop3A_175 = tpu.vector_load_idx %arg7[%parallel_loop3A_174] : memref<40000xf32, #tpu.memory_space<vmem>>[vector<16xi32>], vector<16xf32>,
        %parallel_loop3A_176 = arith.constant 20000 : i32
        %parallel_loop3A_177 = vector.broadcast %parallel_loop3A_176 : i32 to vector<16xi32>
        %parallel_loop3A_178 = arith.addi %parallel_loop3A_103, %parallel_loop3A_177 : vector<16xi32>
        %parallel_loop3A_179 = tpu.vector_load_idx %arg7[%parallel_loop3A_178] : memref<40000xf32, #tpu.memory_space<vmem>>[vector<16xi32>], vector<16xf32>,
        %parallel_loop3A_180 = arith.constant 30000 : i32
        %parallel_loop3A_181 = vector.broadcast %parallel_loop3A_180 : i32 to vector<16xi32>
        %parallel_loop3A_182 = arith.addi %parallel_loop3A_103, %parallel_loop3A_181 : vector<16xi32>
        %parallel_loop3A_183 = tpu.vector_load_idx %arg7[%parallel_loop3A_182] : memref<40000xf32, #tpu.memory_space<vmem>>[vector<16xi32>], vector<16xf32>,
        %parallel_loop3A_184 = arith.constant 0 : i32
        %parallel_loop3A_185 = vector.broadcast %parallel_loop3A_184 : i32 to vector<16xi32>
        %parallel_loop3A_186 = arith.addi %parallel_loop3A_107, %parallel_loop3A_185 : vector<16xi32>
        tpu.vector_store_idx %arg8[%parallel_loop3A_186], %parallel_loop3A_123 {add = true} : memref<40000xf32, #tpu.memory_space<vmem>>[vector<16xi32>], vector<16xf32>,
        %parallel_loop3A_187 = arith.constant 10000 : i32
        %parallel_loop3A_188 = vector.broadcast %parallel_loop3A_187 : i32 to vector<16xi32>
        %parallel_loop3A_189 = arith.addi %parallel_loop3A_107, %parallel_loop3A_188 : vector<16xi32>
        tpu.vector_store_idx %arg8[%parallel_loop3A_189], %parallel_loop3A_127 {add = true} : memref<40000xf32, #tpu.memory_space<vmem>>[vector<16xi32>], vector<16xf32>,
        %parallel_loop3A_190 = arith.constant 20000 : i32
        %parallel_loop3A_191 = vector.broadcast %parallel_loop3A_190 : i32 to vector<16xi32>
        %parallel_loop3A_192 = arith.addi %parallel_loop3A_107, %parallel_loop3A_191 : vector<16xi32>
        tpu.vector_store_idx %arg8[%parallel_loop3A_192], %parallel_loop3A_131 {add = true} : memref<40000xf32, #tpu.memory_space<vmem>>[vector<16xi32>], vector<16xf32>,
        %parallel_loop3A_193 = arith.constant 30000 : i32
        %parallel_loop3A_194 = vector.broadcast %parallel_loop3A_193 : i32 to vector<16xi32>
        %parallel_loop3A_195 = arith.addi %parallel_loop3A_107, %parallel_loop3A_194 : vector<16xi32>
        tpu.vector_store_idx %arg8[%parallel_loop3A_195], %parallel_loop3A_135 {add = true} : memref<40000xf32, #tpu.memory_space<vmem>>[vector<16xi32>], vector<16xf32>,
        %parallel_loop3A_196 = arith.constant 0 : i32
        %parallel_loop3A_197 = vector.broadcast %parallel_loop3A_196 : i32 to vector<16xi32>
        %parallel_loop3A_198 = arith.addi %parallel_loop3A_111, %parallel_loop3A_197 : vector<16xi32>
        tpu.vector_store_idx %arg8[%parallel_loop3A_198], %parallel_loop3A_139 {add = true} : memref<40000xf32, #tpu.memory_space<vmem>>[vector<16xi32>], vector<16xf32>,
        %parallel_loop3A_199 = arith.constant 10000 : i32
        %parallel_loop3A_200 = vector.broadcast %parallel_loop3A_199 : i32 to vector<16xi32>
        %parallel_loop3A_201 = arith.addi %parallel_loop3A_111, %parallel_loop3A_200 : vector<16xi32>
        tpu.vector_store_idx %arg8[%parallel_loop3A_201], %parallel_loop3A_143 {add = true} : memref<40000xf32, #tpu.memory_space<vmem>>[vector<16xi32>], vector<16xf32>,
        %parallel_loop3A_202 = arith.constant 20000 : i32
        %parallel_loop3A_203 = vector.broadcast %parallel_loop3A_202 : i32 to vector<16xi32>
        %parallel_loop3A_204 = arith.addi %parallel_loop3A_111, %parallel_loop3A_203 : vector<16xi32>
        tpu.vector_store_idx %arg8[%parallel_loop3A_204], %parallel_loop3A_147 {add = true} : memref<40000xf32, #tpu.memory_space<vmem>>[vector<16xi32>], vector<16xf32>,
        %parallel_loop3A_205 = arith.constant 30000 : i32
        %parallel_loop3A_206 = vector.broadcast %parallel_loop3A_205 : i32 to vector<16xi32>
        %parallel_loop3A_207 = arith.addi %parallel_loop3A_111, %parallel_loop3A_206 : vector<16xi32>
        tpu.vector_store_idx %arg8[%parallel_loop3A_207], %parallel_loop3A_151 {add = true} : memref<40000xf32, #tpu.memory_space<vmem>>[vector<16xi32>], vector<16xf32>,
        %parallel_loop3A_208 = arith.constant 0 : i32
        %parallel_loop3A_209 = vector.broadcast %parallel_loop3A_208 : i32 to vector<16xi32>
        %parallel_loop3A_210 = arith.addi %parallel_loop3A_115, %parallel_loop3A_209 : vector<16xi32>
        tpu.vector_store_idx %arg8[%parallel_loop3A_210], %parallel_loop3A_155 {add = true} : memref<40000xf32, #tpu.memory_space<vmem>>[vector<16xi32>], vector<16xf32>,
        %parallel_loop3A_211 = arith.constant 10000 : i32
        %parallel_loop3A_212 = vector.broadcast %parallel_loop3A_211 : i32 to vector<16xi32>
        %parallel_loop3A_213 = arith.addi %parallel_loop3A_115, %parallel_loop3A_212 : vector<16xi32>
        tpu.vector_store_idx %arg8[%parallel_loop3A_213], %parallel_loop3A_159 {add = true} : memref<40000xf32, #tpu.memory_space<vmem>>[vector<16xi32>], vector<16xf32>,
        %parallel_loop3A_214 = arith.constant 20000 : i32
        %parallel_loop3A_215 = vector.broadcast %parallel_loop3A_214 : i32 to vector<16xi32>
        %parallel_loop3A_216 = arith.addi %parallel_loop3A_115, %parallel_loop3A_215 : vector<16xi32>
        tpu.vector_store_idx %arg8[%parallel_loop3A_216], %parallel_loop3A_163 {add = true} : memref<40000xf32, #tpu.memory_space<vmem>>[vector<16xi32>], vector<16xf32>,
        %parallel_loop3A_217 = arith.constant 30000 : i32
        %parallel_loop3A_218 = vector.broadcast %parallel_loop3A_217 : i32 to vector<16xi32>
        %parallel_loop3A_219 = arith.addi %parallel_loop3A_115, %parallel_loop3A_218 : vector<16xi32>
        tpu.vector_store_idx %arg8[%parallel_loop3A_219], %parallel_loop3A_167 {add = true} : memref<40000xf32, #tpu.memory_space<vmem>>[vector<16xi32>], vector<16xf32>,
        %parallel_loop3A_220 = arith.constant 0 : i32
        %parallel_loop3A_221 = vector.broadcast %parallel_loop3A_220 : i32 to vector<16xi32>
        %parallel_loop3A_222 = arith.addi %parallel_loop3A_119, %parallel_loop3A_221 : vector<16xi32>
        tpu.vector_store_idx %arg8[%parallel_loop3A_222], %parallel_loop3A_171 {add = true} : memref<40000xf32, #tpu.memory_space<vmem>>[vector<16xi32>], vector<16xf32>,
        %parallel_loop3A_223 = arith.constant 10000 : i32
        %parallel_loop3A_224 = vector.broadcast %parallel_loop3A_223 : i32 to vector<16xi32>
        %parallel_loop3A_225 = arith.addi %parallel_loop3A_119, %parallel_loop3A_224 : vector<16xi32>
        tpu.vector_store_idx %arg8[%parallel_loop3A_225], %parallel_loop3A_175 {add = true} : memref<40000xf32, #tpu.memory_space<vmem>>[vector<16xi32>], vector<16xf32>,
        %parallel_loop3A_226 = arith.constant 20000 : i32
        %parallel_loop3A_227 = vector.broadcast %parallel_loop3A_226 : i32 to vector<16xi32>
        %parallel_loop3A_228 = arith.addi %parallel_loop3A_119, %parallel_loop3A_227 : vector<16xi32>
        tpu.vector_store_idx %arg8[%parallel_loop3A_228], %parallel_loop3A_179 {add = true} : memref<40000xf32, #tpu.memory_space<vmem>>[vector<16xi32>], vector<16xf32>,
        %parallel_loop3A_229 = arith.constant 30000 : i32
        %parallel_loop3A_230 = vector.broadcast %parallel_loop3A_229 : i32 to vector<16xi32>
        %parallel_loop3A_231 = arith.addi %parallel_loop3A_119, %parallel_loop3A_230 : vector<16xi32>
        tpu.vector_store_idx %arg8[%parallel_loop3A_231], %parallel_loop3A_183 {add = true} : memref<40000xf32, #tpu.memory_space<vmem>>[vector<16xi32>], vector<16xf32>,
      } {sc.loop_unroll_factor = 1 : i64, sc.parallel_access}
      %add3A_78 = arith.constant 2 : i32
      %add3A_79 = arith.addi %add3A_66, %add3A_78 : i32
      %lt3A_80 = arith.constant 50 : i32
      %lt3A_81 = arith.cmpi slt, %add3A_79, %lt3A_80 : i32
      %convert_element_type3A_82 = arith.extui %lt3A_81 : i1 to i32
      %cond3A_83 = arith.constant 0 : i32
      %cond3A_84 = arith.cmpi ne, %convert_element_type3A_82, %cond3A_83 : i32
      scf.if %cond3A_84 {
        %add3A_85 = arith.constant 2 : i32
        %add3A_86 = arith.addi %add3A_66, %add3A_85 : i32
        %mul3A_87 = arith.constant 6400 : i32
        %mul3A_88 = arith.muli %add3A_86, %mul3A_87 : i32
        %dma_start3A_89 = tpu.memref_slice %arg3[%mul3A_88] : memref<320000xi32, #tpu.memory_space<hbm>> -> memref<6400xi32, #tpu.memory_space<hbm>>
        %dma_start3A_90 = tpu.memref_slice %arg3[%mul3A_88] : memref<320000xi32, #tpu.memory_space<hbm>> -> memref<6400xi32, #tpu.memory_space<hbm>>
        tpu.enqueue_dma source(%dma_start3A_90 : memref<6400xi32, #tpu.memory_space<hbm>>) target(%arg11 : memref<6400xi32, #tpu.memory_space<vmem>>) target_semaphore(%arg15 : memref<!tpu.dma_semaphore, #tpu.memory_space<semaphore_mem>>)
        %mul3A_91 = arith.constant 6400 : i32
        %mul3A_92 = arith.muli %add3A_86, %mul3A_91 : i32
        %dma_start3A_93 = tpu.memref_slice %arg4[%mul3A_92] : memref<320000xi32, #tpu.memory_space<hbm>> -> memref<6400xi32, #tpu.memory_space<hbm>>
        %dma_start3A_94 = tpu.memref_slice %arg4[%mul3A_92] : memref<320000xi32, #tpu.memory_space<hbm>> -> memref<6400xi32, #tpu.memory_space<hbm>>
        tpu.enqueue_dma source(%dma_start3A_94 : memref<6400xi32, #tpu.memory_space<hbm>>) target(%arg12 : memref<6400xi32, #tpu.memory_space<vmem>>) target_semaphore(%arg16 : memref<!tpu.dma_semaphore, #tpu.memory_space<semaphore_mem>>)
      } else {
      }
    }
    %scan3A_37 = arith.constant 25 : i32
    %mul3A_38 = arith.constant 40000 : i32
    %mul3A_39 = arith.muli %add3A, %mul3A_38 : i32
    "tpu.region"() ({
      %run_scoped3A = tpu.sem_alloc : memref<!tpu.dma_semaphore, #tpu.memory_space<semaphore_mem>>
      %dma_start3A_44 = tpu.memref_slice %arg5[%mul3A_39] : memref<1280000xf32, #tpu.memory_space<hbm>> -> memref<40000xf32, #tpu.memory_space<hbm>>
      %dma_start3A_45 = tpu.memref_slice %arg5[%mul3A_39] : memref<1280000xf32, #tpu.memory_space<hbm>> -> memref<40000xf32, #tpu.memory_space<hbm>>
      tpu.enqueue_dma source(%arg8 : memref<40000xf32, #tpu.memory_space<vmem>>) target(%dma_start3A_45 : memref<40000xf32, #tpu.memory_space<hbm>>) target_semaphore(%run_scoped3A : memref<!tpu.dma_semaphore, #tpu.memory_space<semaphore_mem>>)
      %dma_wait3A = tpu.memref_slice %arg5[%mul3A_39] : memref<1280000xf32, #tpu.memory_space<hbm>> -> memref<40000xf32, #tpu.memory_space<hbm>>
      %dma_wait3A_46 = tpu.memref_slice %arg5[%mul3A_39] : memref<1280000xf32, #tpu.memory_space<hbm>> -> memref<40000xf32, #tpu.memory_space<hbm>>
      tpu.wait_dma2 semaphore(%run_scoped3A : memref<!tpu.dma_semaphore, #tpu.memory_space<semaphore_mem>>) src(%arg8 : memref<40000xf32, #tpu.memory_space<vmem>>) dst(%dma_wait3A_46 : memref<40000xf32, #tpu.memory_space<hbm>>)
      tpu.yield
    }) : () -> ()
    %mul3A_40 = arith.constant 10000 : i32
    %mul3A_41 = arith.muli %add3A, %mul3A_40 : i32
    "tpu.region"() ({
      %run_scoped3A = tpu.sem_alloc : memref<!tpu.dma_semaphore, #tpu.memory_space<semaphore_mem>>
      %dma_start3A_44 = tpu.memref_slice %arg4[%mul3A_41] : memref<320000xi32, #tpu.memory_space<hbm>> -> memref<10000xi32, #tpu.memory_space<hbm>>
      %dma_start3A_45 = tpu.memref_slice %arg4[%mul3A_41] : memref<320000xi32, #tpu.memory_space<hbm>> -> memref<10000xi32, #tpu.memory_space<hbm>>
      tpu.enqueue_dma source(%dma_start3A_45 : memref<10000xi32, #tpu.memory_space<hbm>>) target(%arg18 : memref<10000xi32, #tpu.memory_space<vmem>>) target_semaphore(%run_scoped3A : memref<!tpu.dma_semaphore, #tpu.memory_space<semaphore_mem>>)
      %dma_wait3A = tpu.memref_slice %arg4[%mul3A_41] : memref<320000xi32, #tpu.memory_space<hbm>> -> memref<10000xi32, #tpu.memory_space<hbm>>
      %dma_wait3A_46 = tpu.memref_slice %arg4[%mul3A_41] : memref<320000xi32, #tpu.memory_space<hbm>> -> memref<10000xi32, #tpu.memory_space<hbm>>
      tpu.wait_dma2 semaphore(%run_scoped3A : memref<!tpu.dma_semaphore, #tpu.memory_space<semaphore_mem>>) src(%dma_wait3A_46 : memref<10000xi32, #tpu.memory_space<hbm>>) dst(%arg18 : memref<10000xi32, #tpu.memory_space<vmem>>)
      tpu.yield
    }) : () -> ()
    %parallel_loop3A = arith.constant 0 : i32
    %parallel_loop3A_42 = arith.constant 125 : i32
    %parallel_loop3A_43 = arith.constant 1 : i32
    scf.for %parallel_loop3A_44 = %parallel_loop3A to %parallel_loop3A_42 step %parallel_loop3A_43  : i32 {
      %parallel_loop3A_45 = arith.constant 80 : i32
      %parallel_loop3A_46 = arith.muli %parallel_loop3A_44, %parallel_loop3A_45 : i32
      %parallel_loop3A_47 = arith.constant 0 : i32
      %parallel_loop3A_48 = arith.addi %parallel_loop3A_46, %parallel_loop3A_47 : i32
      %parallel_loop3A_49 = arith.index_cast %parallel_loop3A_48 : i32 to index
      %parallel_loop3A_50 = tpu.vector_load %arg18[%parallel_loop3A_49] {strides = array<i32>} : memref<10000xi32, #tpu.memory_space<vmem>>, vector<16xi32>,
      tpu.vector_store_idx %arg17[%parallel_loop3A_50], %broadcast_in_dim3A_16 {add = true} : memref<10000xf32, #tpu.memory_space<vmem>>[vector<16xi32>], vector<16xf32>,
      %parallel_loop3A_51 = arith.constant 80 : i32
      %parallel_loop3A_52 = arith.muli %parallel_loop3A_44, %parallel_loop3A_51 : i32
      %parallel_loop3A_53 = arith.constant 16 : i32
      %parallel_loop3A_54 = arith.addi %parallel_loop3A_52, %parallel_loop3A_53 : i32
      %parallel_loop3A_55 = arith.index_cast %parallel_loop3A_54 : i32 to index
      %parallel_loop3A_56 = tpu.vector_load %arg18[%parallel_loop3A_55] {strides = array<i32>} : memref<10000xi32, #tpu.memory_space<vmem>>, vector<16xi32>,
      tpu.vector_store_idx %arg17[%parallel_loop3A_56], %broadcast_in_dim3A_16 {add = true} : memref<10000xf32, #tpu.memory_space<vmem>>[vector<16xi32>], vector<16xf32>,
      %parallel_loop3A_57 = arith.constant 80 : i32
      %parallel_loop3A_58 = arith.muli %parallel_loop3A_44, %parallel_loop3A_57 : i32
      %parallel_loop3A_59 = arith.constant 32 : i32
      %parallel_loop3A_60 = arith.addi %parallel_loop3A_58, %parallel_loop3A_59 : i32
      %parallel_loop3A_61 = arith.index_cast %parallel_loop3A_60 : i32 to index
      %parallel_loop3A_62 = tpu.vector_load %arg18[%parallel_loop3A_61] {strides = array<i32>} : memref<10000xi32, #tpu.memory_space<vmem>>, vector<16xi32>,
      tpu.vector_store_idx %arg17[%parallel_loop3A_62], %broadcast_in_dim3A_16 {add = true} : memref<10000xf32, #tpu.memory_space<vmem>>[vector<16xi32>], vector<16xf32>,
      %parallel_loop3A_63 = arith.constant 80 : i32
      %parallel_loop3A_64 = arith.muli %parallel_loop3A_44, %parallel_loop3A_63 : i32
      %parallel_loop3A_65 = arith.constant 48 : i32
      %parallel_loop3A_66 = arith.addi %parallel_loop3A_64, %parallel_loop3A_65 : i32
      %parallel_loop3A_67 = arith.index_cast %parallel_loop3A_66 : i32 to index
      %parallel_loop3A_68 = tpu.vector_load %arg18[%parallel_loop3A_67] {strides = array<i32>} : memref<10000xi32, #tpu.memory_space<vmem>>, vector<16xi32>,
      tpu.vector_store_idx %arg17[%parallel_loop3A_68], %broadcast_in_dim3A_16 {add = true} : memref<10000xf32, #tpu.memory_space<vmem>>[vector<16xi32>], vector<16xf32>,
      %parallel_loop3A_69 = arith.constant 80 : i32
      %parallel_loop3A_70 = arith.muli %parallel_loop3A_44, %parallel_loop3A_69 : i32
      %parallel_loop3A_71 = arith.constant 64 : i32
      %parallel_loop3A_72 = arith.addi %parallel_loop3A_70, %parallel_loop3A_71 : i32
      %parallel_loop3A_73 = arith.index_cast %parallel_loop3A_72 : i32 to index
      %parallel_loop3A_74 = tpu.vector_load %arg18[%parallel_loop3A_73] {strides = array<i32>} : memref<10000xi32, #tpu.memory_space<vmem>>, vector<16xi32>,
      tpu.vector_store_idx %arg17[%parallel_loop3A_74], %broadcast_in_dim3A_16 {add = true} : memref<10000xf32, #tpu.memory_space<vmem>>[vector<16xi32>], vector<16xf32>,
    } {sc.loop_unroll_factor = 1 : i64, sc.parallel_access}
    "tpu.region"() ({
      %run_scoped3A = tpu.sem_alloc : memref<!tpu.dma_semaphore, #tpu.memory_space<semaphore_mem>>
      %dma_start3A_44 = arith.constant 0 : i32
      %dma_start3A_45 = tpu.memref_slice %arg6[%add3A, %dma_start3A_44] : memref<32x10000xf32, #tpu.memory_space<hbm>> -> memref<1x10000xf32, #tpu.memory_space<hbm>>
      %dma_start3A_46 = tpu.memref_squeeze %dma_start3A_45 : memref<1x10000xf32, #tpu.memory_space<hbm>> -> memref<10000xf32, #tpu.memory_space<hbm>>
      %dma_start3A_47 = arith.constant 0 : i32
      %dma_start3A_48 = tpu.memref_slice %arg6[%add3A, %dma_start3A_47] : memref<32x10000xf32, #tpu.memory_space<hbm>> -> memref<1x10000xf32, #tpu.memory_space<hbm>>
      %dma_start3A_49 = tpu.memref_squeeze %dma_start3A_48 : memref<1x10000xf32, #tpu.memory_space<hbm>> -> memref<10000xf32, #tpu.memory_space<hbm>>
      tpu.enqueue_dma source(%arg17 : memref<10000xf32, #tpu.memory_space<vmem>>) target(%dma_start3A_49 : memref<10000xf32, #tpu.memory_space<hbm>>) target_semaphore(%run_scoped3A : memref<!tpu.dma_semaphore, #tpu.memory_space<semaphore_mem>>)
      %dma_wait3A = arith.constant 0 : i32
      %dma_wait3A_50 = tpu.memref_slice %arg6[%add3A, %dma_wait3A] : memref<32x10000xf32, #tpu.memory_space<hbm>> -> memref<1x10000xf32, #tpu.memory_space<hbm>>
      %dma_wait3A_51 = tpu.memref_squeeze %dma_wait3A_50 : memref<1x10000xf32, #tpu.memory_space<hbm>> -> memref<10000xf32, #tpu.memory_space<hbm>>
      %dma_wait3A_52 = arith.constant 0 : i32
      %dma_wait3A_53 = tpu.memref_slice %arg6[%add3A, %dma_wait3A_52] : memref<32x10000xf32, #tpu.memory_space<hbm>> -> memref<1x10000xf32, #tpu.memory_space<hbm>>
      %dma_wait3A_54 = tpu.memref_squeeze %dma_wait3A_53 : memref<1x10000xf32, #tpu.memory_space<hbm>> -> memref<10000xf32, #tpu.memory_space<hbm>>
      tpu.wait_dma2 semaphore(%run_scoped3A : memref<!tpu.dma_semaphore, #tpu.memory_space<semaphore_mem>>) src(%arg17 : memref<10000xf32, #tpu.memory_space<vmem>>) dst(%dma_wait3A_54 : memref<10000xf32, #tpu.memory_space<hbm>>)
      tpu.yield
    }) : () -> ()
    return
  }
}

module attributes {stable_mosaic.version = 14 : i64} {
  func.func @tbody(%arg0: i32, %arg1: memref<1024x128xf32, #tpu.memory_space<vmem>>, %arg2: memref<128x1024xf32, #tpu.memory_space<vmem>>) attributes {dimension_semantics = [#tpu.dimension_semantics<arbitrary>], iteration_bounds = array<i64: 10>, scalar_prefetch = 0 : i64, scratch_operands = 0 : i64, tpu.core_type = #tpu.core_type<tc>, window_params = [{transform_indices = @transform_0, window_bounds = array<i64: 1024, 128>}, {transform_indices = @transform_1, window_bounds = array<i64: 128, 1024>}]} {
    %get3A = arith.constant 0 : index
    %get3A_0 = arith.constant 0 : index
    %get3A_1 = vector.load %arg1[%get3A, %get3A_0] : memref<1024x128xf32, #tpu.memory_space<vmem>>, vector<1024x128xf32>
    %transpose3A = tpu.transpose %get3A_1, [1, 0] : vector<1024x128xf32> -> vector<128x1024xf32>
    %swap3A = arith.constant 0 : index
    %swap3A_2 = arith.constant 0 : index
    %swap3A_3 = vector.load %arg2[%swap3A, %swap3A_2] : memref<128x1024xf32, #tpu.memory_space<vmem>>, vector<128x1024xf32>
    tpu.vector_store %arg2[%swap3A, %swap3A_2], %transpose3A {strides = array<i32>} : memref<128x1024xf32, #tpu.memory_space<vmem>>, vector<128x1024xf32>,
    return
  }
  func.func @transform_0(%arg0: i32) -> (i32, i32) {
    %c0_i32 = arith.constant 0 : i32
    %c0_i32_0 = arith.constant 0 : i32
    return %arg0, %c0_i32 : i32, i32
  }
  func.func @transform_1(%arg0: i32) -> (i32, i32) {
    %c0_i32 = arith.constant 0 : i32
    %c0_i32_0 = arith.constant 0 : i32
    return %c0_i32, %arg0 : i32, i32
  }
}

module attributes {stable_mosaic.version = 14 : i64} {
  func.func @lbody(%arg0: i32, %arg1: memref<128x1024xf32, #tpu.memory_space<vmem>>, %arg2: memref<32x1024xf32, #tpu.memory_space<vmem>>, %arg3: memref<128x1024xf32, #tpu.memory_space<vmem>>, %arg4: memref<128x128xf32, #tpu.memory_space<vmem>>, %arg5: memref<128x128xf32, #tpu.memory_space<vmem>>, %arg6: memref<128x1xf32, #tpu.memory_space<vmem>>, %arg7: memref<128x1024xf32, #tpu.memory_space<vmem>>, %arg8: memref<1x1024xf32, #tpu.memory_space<vmem>>) attributes {dimension_semantics = [#tpu.dimension_semantics<arbitrary>], iteration_bounds = array<i64: 10>, scalar_prefetch = 0 : i64, scratch_operands = 0 : i64, tpu.core_type = #tpu.core_type<tc>, window_params = [{transform_indices = @transform_0, window_bounds = array<i64: 128, 1024>}, {transform_indices = @transform_1, window_bounds = array<i64: 32, 1024>}, {transform_indices = @transform_2, window_bounds = array<i64: 128, 1024>}, {pipeline_mode = #tpu.pipeline_mode<synchronous>, transform_indices = @transform_3, window_bounds = array<i64: 128, 128>}, {pipeline_mode = #tpu.pipeline_mode<synchronous>, transform_indices = @transform_4, window_bounds = array<i64: 128, 128>}, {pipeline_mode = #tpu.pipeline_mode<synchronous>, transform_indices = @transform_5, window_bounds = array<i64: 128, 1>}, {transform_indices = @transform_6, window_bounds = array<i64: 128, 1024>}, {transform_indices = @transform_7, window_bounds = array<i64: 1, 1024>}]} {
    %get3A = arith.constant 0 : index
    %get3A_0 = arith.constant 0 : index
    %get3A_1 = vector.load %arg2[%get3A, %get3A_0] : memref<32x1024xf32, #tpu.memory_space<vmem>>, vector<32x1024xf32>
    %reduce_sum3A = arith.constant dense<0.000000e+00> : vector<1024xf32>
    %reduce_sum3A_2 = vector.multi_reduction <add>, %get3A_1, %reduce_sum3A [0] : vector<32x1024xf32> to vector<1024xf32>
    %broadcast_in_dim3A = vector.shape_cast %reduce_sum3A_2 : vector<1024xf32> to vector<1x1024xf32>
    %max3A = arith.constant 1.000000e+00 : f32
    %max3A_3 = vector.broadcast %max3A : f32 to vector<1x1024xf32>
    %max3A_4 = arith.maximumf %broadcast_in_dim3A, %max3A_3 : vector<1x1024xf32>
    %div3A = arith.constant 1.000000e+00 : f32
    %div3A_5 = vector.broadcast %div3A : f32 to vector<1x1024xf32>
    %div3A_6 = arith.divf %div3A_5, %max3A_4 : vector<1x1024xf32>
    %get3A_7 = arith.constant 0 : index
    %get3A_8 = arith.constant 0 : index
    %get3A_9 = vector.load %arg1[%get3A_7, %get3A_8] : memref<128x1024xf32, #tpu.memory_space<vmem>>, vector<128x1024xf32>
    %mul3A = vector.broadcast %div3A_6 : vector<1x1024xf32> to vector<128x1024xf32>
    %mul3A_10 = arith.mulf %get3A_9, %mul3A : vector<128x1024xf32>
    %get3A_11 = arith.constant 0 : index
    %get3A_12 = arith.constant 0 : index
    %get3A_13 = vector.load %arg4[%get3A_11, %get3A_12] : memref<128x128xf32, #tpu.memory_space<vmem>>, vector<128x128xf32>
    %dot_general3A = arith.constant dense<0.000000e+00> : vector<128x1024xf32>
    %dot_general3A_14 = tpu.matmul %get3A_13, %mul3A_10, %dot_general3A {dimension_numbers = #tpu.dot_dimension_numbers<[1], [0], [0], [1], [0, 0, 1, 1], [], []>, transpose_lhs_hint = false} : vector<128x128xf32>, vector<128x1024xf32>, vector<128x1024xf32> -> vector<128x1024xf32>
    %get3A_15 = arith.constant 0 : index
    %get3A_16 = arith.constant 0 : index
    %get3A_17 = vector.load %arg5[%get3A_15, %get3A_16] : memref<128x128xf32, #tpu.memory_space<vmem>>, vector<128x128xf32>
    %get3A_18 = arith.constant 0 : index
    %get3A_19 = arith.constant 0 : index
    %get3A_20 = vector.load %arg3[%get3A_18, %get3A_19] : memref<128x1024xf32, #tpu.memory_space<vmem>>, vector<128x1024xf32>
    %dot_general3A_21 = arith.constant dense<0.000000e+00> : vector<128x1024xf32>
    %dot_general3A_22 = tpu.matmul %get3A_17, %get3A_20, %dot_general3A_21 {dimension_numbers = #tpu.dot_dimension_numbers<[1], [0], [0], [1], [0, 0, 1, 1], [], []>, transpose_lhs_hint = false} : vector<128x128xf32>, vector<128x1024xf32>, vector<128x1024xf32> -> vector<128x1024xf32>
    %add3A = arith.addf %dot_general3A_14, %dot_general3A_22 : vector<128x1024xf32>
    %get3A_23 = arith.constant 0 : index
    %get3A_24 = arith.constant 0 : index
    %get3A_25 = vector.load %arg6[%get3A_23, %get3A_24] : memref<128x1xf32, #tpu.memory_space<vmem>>, vector<128x1xf32>
    %add3A_26 = vector.broadcast %get3A_25 : vector<128x1xf32> to vector<128x1024xf32>
    %add3A_27 = arith.addf %add3A, %add3A_26 : vector<128x1024xf32>
    %max3A_28 = arith.constant 0.000000e+00 : f32
    %max3A_29 = vector.broadcast %max3A_28 : f32 to vector<128x1024xf32>
    %max3A_30 = arith.maximumf %add3A_27, %max3A_29 : vector<128x1024xf32>
    %swap3A = arith.constant 0 : index
    %swap3A_31 = arith.constant 0 : index
    %swap3A_32 = vector.load %arg7[%swap3A, %swap3A_31] : memref<128x1024xf32, #tpu.memory_space<vmem>>, vector<128x1024xf32>
    tpu.vector_store %arg7[%swap3A, %swap3A_31], %max3A_30 {strides = array<i32>} : memref<128x1024xf32, #tpu.memory_space<vmem>>, vector<128x1024xf32>,
    %swap3A_33 = arith.constant 0 : index
    %swap3A_34 = arith.constant 0 : index
    %swap3A_35 = vector.load %arg8[%swap3A_33, %swap3A_34] : memref<1x1024xf32, #tpu.memory_space<vmem>>, vector<1x1024xf32>
    tpu.vector_store %arg8[%swap3A_33, %swap3A_34], %div3A_6 {strides = array<i32>} : memref<1x1024xf32, #tpu.memory_space<vmem>>, vector<1x1024xf32>,
    return
  }
  func.func @transform_0(%arg0: i32) -> (i32, i32) {
    %c0_i32 = arith.constant 0 : i32
    %c0_i32_0 = arith.constant 0 : i32
    return %c0_i32, %arg0 : i32, i32
  }
  func.func @transform_1(%arg0: i32) -> (i32, i32) {
    %c0_i32 = arith.constant 0 : i32
    %c0_i32_0 = arith.constant 0 : i32
    return %c0_i32, %arg0 : i32, i32
  }
  func.func @transform_2(%arg0: i32) -> (i32, i32) {
    %c0_i32 = arith.constant 0 : i32
    %c0_i32_0 = arith.constant 0 : i32
    return %c0_i32, %arg0 : i32, i32
  }
  func.func @transform_3(%arg0: i32) -> (i32, i32) {
    %c0_i32 = arith.constant 0 : i32
    %c0_i32_0 = arith.constant 0 : i32
    %c0_i32_1 = arith.constant 0 : i32
    return %c0_i32, %c0_i32_0 : i32, i32
  }
  func.func @transform_4(%arg0: i32) -> (i32, i32) {
    %c0_i32 = arith.constant 0 : i32
    %c0_i32_0 = arith.constant 0 : i32
    %c0_i32_1 = arith.constant 0 : i32
    return %c0_i32, %c0_i32_0 : i32, i32
  }
  func.func @transform_5(%arg0: i32) -> (i32, i32) {
    %c0_i32 = arith.constant 0 : i32
    %c0_i32_0 = arith.constant 0 : i32
    %c0_i32_1 = arith.constant 0 : i32
    return %c0_i32, %c0_i32_0 : i32, i32
  }
  func.func @transform_6(%arg0: i32) -> (i32, i32) {
    %c0_i32 = arith.constant 0 : i32
    %c0_i32_0 = arith.constant 0 : i32
    return %c0_i32, %arg0 : i32, i32
  }
  func.func @transform_7(%arg0: i32) -> (i32, i32) {
    %c0_i32 = arith.constant 0 : i32
    %c0_i32_0 = arith.constant 0 : i32
    return %c0_i32, %arg0 : i32, i32
  }
}

module attributes {stable_mosaic.version = 14 : i64} {
  func.func @lbody(%arg0: i32, %arg1: memref<128x1024xf32, #tpu.memory_space<vmem>>, %arg2: memref<1x1024xf32, #tpu.memory_space<vmem>>, %arg3: memref<128x1024xf32, #tpu.memory_space<vmem>>, %arg4: memref<128x128xf32, #tpu.memory_space<vmem>>, %arg5: memref<128x128xf32, #tpu.memory_space<vmem>>, %arg6: memref<128x1xf32, #tpu.memory_space<vmem>>, %arg7: memref<1024x128xf32, #tpu.memory_space<vmem>>) attributes {dimension_semantics = [#tpu.dimension_semantics<arbitrary>], iteration_bounds = array<i64: 10>, scalar_prefetch = 0 : i64, scratch_operands = 0 : i64, tpu.core_type = #tpu.core_type<tc>, window_params = [{transform_indices = @transform_0, window_bounds = array<i64: 128, 1024>}, {transform_indices = @transform_1, window_bounds = array<i64: 1, 1024>}, {transform_indices = @transform_2, window_bounds = array<i64: 128, 1024>}, {pipeline_mode = #tpu.pipeline_mode<synchronous>, transform_indices = @transform_3, window_bounds = array<i64: 128, 128>}, {pipeline_mode = #tpu.pipeline_mode<synchronous>, transform_indices = @transform_4, window_bounds = array<i64: 128, 128>}, {pipeline_mode = #tpu.pipeline_mode<synchronous>, transform_indices = @transform_5, window_bounds = array<i64: 128, 1>}, {transform_indices = @transform_6, window_bounds = array<i64: 1024, 128>}]} {
    %get3A = arith.constant 0 : index
    %get3A_0 = arith.constant 0 : index
    %get3A_1 = vector.load %arg2[%get3A, %get3A_0] : memref<1x1024xf32, #tpu.memory_space<vmem>>, vector<1x1024xf32>
    %get3A_2 = arith.constant 0 : index
    %get3A_3 = arith.constant 0 : index
    %get3A_4 = vector.load %arg1[%get3A_2, %get3A_3] : memref<128x1024xf32, #tpu.memory_space<vmem>>, vector<128x1024xf32>
    %mul3A = vector.broadcast %get3A_1 : vector<1x1024xf32> to vector<128x1024xf32>
    %mul3A_5 = arith.mulf %get3A_4, %mul3A : vector<128x1024xf32>
    %get3A_6 = arith.constant 0 : index
    %get3A_7 = arith.constant 0 : index
    %get3A_8 = vector.load %arg4[%get3A_6, %get3A_7] : memref<128x128xf32, #tpu.memory_space<vmem>>, vector<128x128xf32>
    %dot_general3A = arith.constant dense<0.000000e+00> : vector<128x1024xf32>
    %dot_general3A_9 = tpu.matmul %get3A_8, %mul3A_5, %dot_general3A {dimension_numbers = #tpu.dot_dimension_numbers<[1], [0], [0], [1], [0, 0, 1, 1], [], []>, transpose_lhs_hint = false} : vector<128x128xf32>, vector<128x1024xf32>, vector<128x1024xf32> -> vector<128x1024xf32>
    %get3A_10 = arith.constant 0 : index
    %get3A_11 = arith.constant 0 : index
    %get3A_12 = vector.load %arg5[%get3A_10, %get3A_11] : memref<128x128xf32, #tpu.memory_space<vmem>>, vector<128x128xf32>
    %get3A_13 = arith.constant 0 : index
    %get3A_14 = arith.constant 0 : index
    %get3A_15 = vector.load %arg3[%get3A_13, %get3A_14] : memref<128x1024xf32, #tpu.memory_space<vmem>>, vector<128x1024xf32>
    %dot_general3A_16 = arith.constant dense<0.000000e+00> : vector<128x1024xf32>
    %dot_general3A_17 = tpu.matmul %get3A_12, %get3A_15, %dot_general3A_16 {dimension_numbers = #tpu.dot_dimension_numbers<[1], [0], [0], [1], [0, 0, 1, 1], [], []>, transpose_lhs_hint = false} : vector<128x128xf32>, vector<128x1024xf32>, vector<128x1024xf32> -> vector<128x1024xf32>
    %add3A = arith.addf %dot_general3A_9, %dot_general3A_17 : vector<128x1024xf32>
    %get3A_18 = arith.constant 0 : index
    %get3A_19 = arith.constant 0 : index
    %get3A_20 = vector.load %arg6[%get3A_18, %get3A_19] : memref<128x1xf32, #tpu.memory_space<vmem>>, vector<128x1xf32>
    %add3A_21 = vector.broadcast %get3A_20 : vector<128x1xf32> to vector<128x1024xf32>
    %add3A_22 = arith.addf %add3A, %add3A_21 : vector<128x1024xf32>
    %transpose3A = tpu.transpose %add3A_22, [1, 0] : vector<128x1024xf32> -> vector<1024x128xf32>
    %swap3A = arith.constant 0 : index
    %swap3A_23 = arith.constant 0 : index
    %swap3A_24 = vector.load %arg7[%swap3A, %swap3A_23] : memref<1024x128xf32, #tpu.memory_space<vmem>>, vector<1024x128xf32>
    tpu.vector_store %arg7[%swap3A, %swap3A_23], %transpose3A {strides = array<i32>} : memref<1024x128xf32, #tpu.memory_space<vmem>>, vector<1024x128xf32>,
    return
  }
  func.func @transform_0(%arg0: i32) -> (i32, i32) {
    %c0_i32 = arith.constant 0 : i32
    %c0_i32_0 = arith.constant 0 : i32
    return %c0_i32, %arg0 : i32, i32
  }
  func.func @transform_1(%arg0: i32) -> (i32, i32) {
    %c0_i32 = arith.constant 0 : i32
    %c0_i32_0 = arith.constant 0 : i32
    return %c0_i32, %arg0 : i32, i32
  }
  func.func @transform_2(%arg0: i32) -> (i32, i32) {
    %c0_i32 = arith.constant 0 : i32
    %c0_i32_0 = arith.constant 0 : i32
    return %c0_i32, %arg0 : i32, i32
  }
  func.func @transform_3(%arg0: i32) -> (i32, i32) {
    %c0_i32 = arith.constant 0 : i32
    %c0_i32_0 = arith.constant 0 : i32
    %c0_i32_1 = arith.constant 0 : i32
    return %c0_i32, %c0_i32_0 : i32, i32
  }
  func.func @transform_4(%arg0: i32) -> (i32, i32) {
    %c0_i32 = arith.constant 0 : i32
    %c0_i32_0 = arith.constant 0 : i32
    %c0_i32_1 = arith.constant 0 : i32
    return %c0_i32, %c0_i32_0 : i32, i32
  }
  func.func @transform_5(%arg0: i32) -> (i32, i32) {
    %c0_i32 = arith.constant 0 : i32
    %c0_i32_0 = arith.constant 0 : i32
    %c0_i32_1 = arith.constant 0 : i32
    return %c0_i32, %c0_i32_0 : i32, i32
  }
  func.func @transform_6(%arg0: i32) -> (i32, i32) {
    %c0_i32 = arith.constant 0 : i32
    %c0_i32_0 = arith.constant 0 : i32
    return %arg0, %c0_i32 : i32, i32
  }
}

</mosaic_0001>

<sc_bundles>
// kernel: kernel.10.cloned.1.call-start
scs
__scs_entry_jumppad:
0x0: {  	(pc) =	sbr.rel $0x88, $3  }
0x1: {  	(tag) =	ssettag $0x0;
	lr =	simm.s32 $0x1  }
0x2: {  	[smem:$0x3F99] =	sst lr;
	_ =	strace $0xD0000000  }
0x3: {  	_ = 	snop  }
0x4: {  	_ = 	snop  }
0x5: {  	_ = 	snop  }
0x6: {  	_ = 	snop  }
0x7: {  	_ = 	snop  }
__scs_overlays_trampoline_lowered:
0x8: {  	[smem:$0x3FA8] =	sst s0  }
0x9: {  	[smem:$0x3FA9] =	sst s1  }
0xa: {  	[smem:$0x3FAA] =	sst s2  }
0xb: {  	[smem:$0x3FAB] =	sst s3  }
0xc: {  	[smem:$0x3FAC] =	sst s4  }
0xd: {  	[smem:$0x3FAD] =	sst s5  }
0xe: {  	[smem:$0x3FAE] =	sst s6  }
0xf: {  	[smem:$0x3FAF] =	sst s7  }
0x10: {  	[smem:$0x3FB0] =	sst s8  }
0x11: {  	[smem:$0x3FB1] =	sst s9;
	s0 =	simm.s32 @!p0 $0x0  }
0x12: {  	s1 =	sld [smem:$0x3F97];
	s0 =	simm.s32 @p0 $0x1  }
0x13: {  	[smem:$0x3FB2] =	sst s0;
	s0 =	simm.s32 @!p1 $0x0  }
0x14: {  	s2 =	sld [smem:$0x3F96];
	s0 =	simm.s32 @p1 $0x1  }
0x15: {  	[smem:$0x3FB3] =	sst s0;
	s0 =	simm.s32 @!p2 $0x0  }
0x16: {  	s3 =	sld [smem:$0x3FDB];
	s0 =	simm.s32 @p2 $0x1  }
0x17: {  	s4 =	simm.s32 $0x1BF5;
	[smem:$0x3FB5] =	sst s0  }
0x18: {  	s0 =	sld [smem:$0x3F98];
	_ =	swait.ge [sflag:s4], $0x0  }
0x19: {  	s7 =	sld [smem:$0x3F99]  }
0x1a: {  	s8 =	sadd.s32 $0xFFFFE003, lr  }
0x1b: {  	s9 =	sadd.s32 $0xFFFFFEF7, lr;
	s5 =	simm.s32 $0xFFFFFFFF;
	p2 =	slt.u32 s8, $0xFFFFF086  }
0x1c: {  	p1 =	slt.u32 s9, $0xF7A;
	s5 =	simm.s32 @!p2 $0x0  }
0x1d: {  	s5 =	simm.s32 @p1 $0x1;
	p0 =	seq.s32 s7, s2  }
0x1e: {  	s7 =	smul.u32 @!p0 $0xF7A, s2;
	p2 =	seq.s32 @!p0 s5, $0x0  }
0x1f: {  	s9 =	smul.u32 $0xF7A, s1;
	s8 =	simm.s32 @!p0 $0x1BF5;
	p2 =	por !p2, p0  }
0x20: {  	[sflag:s8] =	ssyncset.s32 @!p0 $0xFFFFF086;
	s6 =	sadd.s32 @!p0 s3, s7;
	s7 =	simm.s32 @!p0 $0x108  }
0x21: {  	s3 =	sadd.s32 s3, s9;
	s6 =	sadd.s32 @!p0 $0x88, s6;
	s7 =	simm.s32 @p2 $0x1082  }
0x22: {  	[simem:s7], [sflag:s8] =	dma.local @!p0 [hbm:s6], $0xF7A  }
0x23: {  	s9 =	sor.u32 $0xD0000000, s2;
	s6 =	simm.s32 $0x108;
	_ =	swait.ge @!p0 [sflag:s8], $0x0  }
0x24: {  	s3 =	sadd.s32 $0x88, s3;
	s6 =	simm.s32 @!p1 $0x1082;
	[sflag:s4] =	ssyncset.s32 $0xFFFFF086  }
0x25: {  	[simem:s6], [sflag:s4] =	dma.local [hbm:s3], $0xF7A  }
0x26: {  	[smem:$0x3F99] =	sst s1;
	(tag) =	ssettag s2;
	_ =	strace s9  }
0x27: {  	s1 =	sld [smem:$0x3FA9]  }
0x28: {  	s2 =	sld [smem:$0x3FAA]  }
0x29: {  	s4 =	sld [smem:$0x3FAC]  }
0x2a: {  	p0 =	seq.s32 s5, $0x0;
	s5 =	sld [smem:$0x3FAD]  }
0x2b: {  	s6 =	sld [smem:$0x3FAE]  }
0x2c: {  	s7 =	sld [smem:$0x3FAF]  }
0x2d: {  	s3 =	simm.s32 $0x108;
	s8 =	sld [smem:$0x3FB0]  }
0x2e: {  	s3 =	simm.s32 @!p0 $0x1082;
	s9 =	sld [smem:$0x3FB1]  }
0x2f: {  	lr =	sadd.s32 s0, s3;
	s0 =	sld [smem:$0x3FA8]  }
0x30: {  	s3 =	sld [smem:$0x3FAB]  }
0x31: {  	[smem:$0x3FB4] =	sst s10  }
0x32: {  	s10 =	sld [smem:$0x3FB2];
	_ =	sdelay $0x3  }
0x33: {  	p0 =	seq.s32 s10, $0x1;
	s10 =	sld [smem:$0x3FB4];
	_ =	sdelay $0x3  }
0x34: {  	[smem:$0x3FB4] =	sst s10  }
0x35: {  	s10 =	sld [smem:$0x3FB3];
	_ =	sdelay $0x3  }
0x36: {  	p1 =	seq.s32 s10, $0x1;
	s10 =	sld [smem:$0x3FB4];
	_ =	sdelay $0x3  }
0x37: {  	[smem:$0x3FB4] =	sst s10  }
0x38: {  	s10 =	sld [smem:$0x3FB5]  }
0x39: {  	_ = 	snop;
	(pc) =	sbr.ind lr, $3  }
0x3a: {  	_ = 	snop  }
0x3b: {  	_ = 	snop  }
0x3c: {  	p2 =	seq.s32 s10, $0x1;
	s10 =	sld [smem:$0x3FB4]  }
0x3d: {  	_ =	shalt  }
0x3e: {  	_ =	shalt  }
0x3f: {  	_ =	shalt  }
0x40: {  	_ =	shalt  }
0x41: {  	_ =	shalt  }
0x42: {  	_ =	shalt  }
0x43: {  	_ =	shalt  }
0x44: {  	_ =	shalt  }
0x45: {  	_ =	shalt  }
0x46: {  	_ =	shalt  }
0x47: {  	_ =	shalt  }
0x48: {  	_ =	shalt  }
0x49: {  	_ =	shalt  }
0x4a: {  	_ =	shalt  }
0x4b: {  	_ =	shalt  }
0x4c: {  	_ =	shalt  }
0x4d: {  	_ =	shalt  }
0x4e: {  	_ =	shalt  }
0x4f: {  	_ =	shalt  }
0x50: {  	_ =	shalt  }
0x51: {  	_ =	shalt  }
0x52: {  	_ =	shalt  }
0x53: {  	_ =	shalt  }
0x54: {  	_ =	shalt  }
0x55: {  	_ =	shalt  }
0x56: {  	_ =	shalt  }
0x57: {  	_ =	shalt  }
0x58: {  	_ =	shalt  }
0x59: {  	_ =	shalt  }
0x5a: {  	_ =	shalt  }
0x5b: {  	_ =	shalt  }
0x5c: {  	_ =	shalt  }
0x5d: {  	_ =	shalt  }
0x5e: {  	_ =	shalt  }
0x5f: {  	_ =	shalt  }
0x60: {  	_ =	shalt  }
0x61: {  	_ =	shalt  }
0x62: {  	_ =	shalt  }
0x63: {  	_ =	shalt  }
0x64: {  	_ =	shalt  }
0x65: {  	_ =	shalt  }
0x66: {  	_ =	shalt  }
0x67: {  	_ =	shalt  }
0x68: {  	_ =	shalt  }
0x69: {  	_ =	shalt  }
0x6a: {  	_ =	shalt  }
0x6b: {  	_ =	shalt  }
0x6c: {  	_ =	shalt  }
0x6d: {  	_ =	shalt  }
0x6e: {  	_ =	shalt  }
0x6f: {  	_ =	shalt  }
0x70: {  	_ =	shalt  }
0x71: {  	_ =	shalt  }
0x72: {  	_ =	shalt  }
0x73: {  	_ =	shalt  }
0x74: {  	_ =	shalt  }
0x75: {  	_ =	shalt  }
0x76: {  	_ =	shalt  }
0x77: {  	_ =	shalt  }
0x78: {  	_ =	shalt  }
0x79: {  	_ =	shalt  }
0x7a: {  	_ =	shalt  }
0x7b: {  	_ =	shalt  }
0x7c: {  	_ =	shalt  }
0x7d: {  	_ =	shalt  }
0x7e: {  	_ =	shalt  }
0x7f: {  	_ =	shalt  }
0x80: {  	_ =	shalt  }
0x81: {  	_ =	shalt  }
0x82: {  	_ =	shalt  }
0x83: {  	_ =	shalt  }
0x84: {  	_ =	shalt  }
0x85: {  	_ =	shalt  }
0x86: {  	_ =	shalt  }
0x87: {  	_ =	shalt  }
.Lfunc_end0:
.L_simem_size_0:
called_computation.1_lowered:
.L_overlay_start_0:
0x88: {  	s2 =	sld [smem:$0x3FD9]  }
0x89: {  	s3 =	sld [smem:$0x3FFE];
	_ =	sdelay $0x1  }
0x8a: {  	s1 =	srdreg.scid  }
0x8b: {  	s0 =	sand.u32 $0x1, s1  }
0x8c: {  	s17 =	sshll.u32 s0, $0xA;
	s2 =	sadd.s32 s3, s2  }
0x8d: {  	s2 =	sadd.s32 s2, s17  }
0x8e: {  	[smem:$0x3FC0] =	sst s2  }
0x8f: {  	_ = 	snop  }
0x90: {  	s2 =	sld [smem:$0x3FD0];
	(tm) =	ssettm $0x1  }
0x91: {  	s18 =	sld [smem:$0x3FFB];
	_ =	sdelay $0x3  }
0x92: {  	_ =	strace s18  }
0x93: {  	s3 =	sld [smem:$0x3FFC];
	_ =	sdelay $0x3  }
0x94: {  	_ =	strace s3  }
0x95: {  	s3 =	sld [smem:$0x3FFD];
	_ =	sdelay $0x3  }
0x96: {  	_ =	strace s3  }
0x97: {  	_ =	strace $0x8FFFFFFF  }
0x98: {  	s19 =	sld [smem:$0x3FDB];
	_ =	sdelay $0x1  }
0x99: {  	s4 =	simm.s32 $_scs_section_size  }
0x9a: {  	s5 =	simm.s32 $_size__tile_overlayer_lowered;
	s6 =	simm.s32 $_tile_overlayer_lowered  }
0x9b: {  	s22 =	simm.s32 $0x1BFF;
	s21 =	sshll.u32 s6, $0x1;
	s3 =	sadd.s32 s4, s19  }
0x9c: {  	s7 =	simm.s32 $0x0;
	s20 =	sshll.u32 s5, $0x1;
	s5 =	sadd.s32 s21, s3  }
0x9d: {  	[timem:s7], [sflag:s22] =	dma.local [hbm:s5], s20  }
0x9e: {  	_ =	swait.ge [sflag:s22], s20  }
0x9f: {  	s4 =	ssub.s32 $0x0, s20;
	[sflag:s22] =	ssyncset.done $0x0  }
0xa0: {  	[sflag:s22] =	ssyncadd.s32 s4;
	_ =	sdelay $0x1  }
0xa1: {  	s23 =	simm.s32 $0x1B8B  }
0xa2: {  	_ =	swait.ge [sflag:s23], $0x1  }
0xa3: {  	[sflag:s23] =	ssyncset.done $0x0  }
0xa4: {  	s25 =	simm.s32 $0x1B8E;
	s24 =	sld [smem:$0x3FFE];
	[sflag:s23] =	ssyncadd.s32 $0xFFFFFFFF  }
0xa5: {  	s26 =	simm.s32 $execute0_lowered;
	[smem:$0x3FD2] =	sst s25  }
0xa6: {  	s5 =	sshll.u32 s26, $0x1;
	_ =	strace $0x80000049;
	[dreg:$0x1] =	wrdreg $0xFFFFFFFF  }
0xa7: {  	s28 =	simm.s32 $_size_execute0_lowered;
	s3 =	sadd.s32 s3, s5;
	[dreg:$0x0] =	wrdreg $0x0  }
0xa8: {  	s5 =	sshll.u32 s28, $0x1;
	[dreg:$0x2] =	wrdreg s3  }
0xa9: {  	[dreg:$0x3] =	wrdreg s5  }
0xaa: {  	[dreg:$0x4] =	wrdreg $0xC0  }
0xab: {  	_ =	task [dreg:s7], $0x5FFFF  }
0xac: {  	[dreg:$0x1] =	wrdreg $0xFFFFFFFF  }
0xad: {  	[dreg:$0x0] =	wrdreg $0x60  }
0xae: {  	[dreg:$0x2] =	wrdreg s2  }
0xaf: {  	[dreg:$0x3] =	wrdreg s24  }
0xb0: {  	[dreg:$0x4] =	wrdreg $0x9  }
0xb1: {  	_ =	task.clear_ibuf [dreg:s7], $0x5FFFF;
	_ =	strace $0x90000049  }
0xb2: {  	s29 =	simm.s32 $0x9;
	_ =	strace $0x8000004B  }
0xb3: {  	_ =	swait.ge [sflag:s29], $0x1  }
0xb4: {  	[sflag:s29] =	ssyncadd.s32 $0xFFFFFFFF  }
0xb5: {  	_ =	strace $0x9000004B  }
0xb6: {  	_ =	sfence  }
0xb7: {  	s30 =	sld [smem:$0x0];
	_ =	sdelay $0x2  }
0xb8: {  	s31 =	sshll.u32 s1, $0xD;
	s1 =	sshrl.u32 s1, $0x2  }
0xb9: {  	s3 =	sand.u32 $0x4000, s31;
	s1 =	sadd.s32 s1, s30  }
0xba: {  	s0 =	sor.u32 s3, s0;
	s1 =	sshll.u32 s1, $0x11  }
0xbb: {  	s0 =	sor.u32 s1, s0  }
0xbc: {  	s0 =	sadd.s32 $0x8F2B, s0  }
0xbd: {  	[sflag:s0] =	ssyncadd.remote.s32 $0x1  }
0xbe: {  	_ =	sfence.sel $0xFFFF  }
0xbf: {  	[dreg:$0x0] =	wrdreg $0xFFFFFFFF;
	(pc) =	sbr.abs _section_cstart, $3  }
0xc0: {  	[dreg:$0x1] =	wrdreg $0xFFFFFFFF  }
0xc1: {  	_ =	task.clear_ibuf [dreg:s7], $0x2FFFF;
	_ =	strace $0x9FFFFFFF  }
0xc2: {  	(tm) =	ssettm $0x7FFFFFFF  }
0xc3: {  	_ =	shalt  }
tec
execute0_lowered:
.L_overlay_start_1:
0x0: {  	(tag) =	ssettag $0x1  }
0x1: {  	s5 =	rddreg [dreg:$0x0]  }
0x2: {  	s7 =	rddreg [dreg:$0x1]  }
0x3: {  	s0 =	rddreg [dreg:$0x2]  }
0x4: {  	s3 =	srdreg.scid;
	s1 =	stileid.u32  }
0x5: {  	s2 =	simm.s32 $0x0;
	s11 =	simm.s32 $0x13900;
	s12 =	simm.s32 $0x15200  }
0x6: {  	s13 =	simm.s32 $0x16B00;
	s14 =	simm.s32 $0x18400;
	s15 =	simm.s32 $0x1  }
0x7: {  	s16 =	simm.s32 $0x2;
	s3 =	sand.u32 $0x1, s3;
	s4 =	sshll.u32 s1, $0x1  }
0x8: {  	s17 =	simm.s32 $0x9C80;
	s18 =	simm.s32 $0x3;
	s4 =	sor.u32 s3, s4  }
0x9: {  	s19 =	simm.s32 $0x4;
	s20 =	simm.s32 $0x0;
	s6 =	smul.u32 $0x1388, s4  }
.Ltmp0:
0xa: {  	[smem:$0x7FF] =	sst s2;
	s8 =	ssub.s32 $0x2, s3;
	(pc) =	sbr.rel .LBB2_1-.Ltmp0, $4  }
0xb: {  	_ =	strace $0x8000004A;
	s3 =	sadd.s32 $0xB400, s7;
	s9 =	sshrl.u32 s8, $0x1  }
0xc: {  	s4 =	sadd.s32 $0x1600, s7;
	s9 =	ssub.s32 s8, s9;
	s10 =	sadd.s32 s6, s7  }
0xd: {  	s5 =	sadd.s32 s5, s6;
	s6 =	sadd.s32 $0xB720, s7;
	s7 =	sadd.s32 $0x1920, s7  }
0xe: {  	v0 =	vimm.f32 $0.0e+00;
	s9 =	smax.u32 s9, $0x1;
	s8 =	sadd.s32 $0x15200, s10;
	s10 =	simm.s32 $0x5  }
.LBB2_10:
0xf: {  	s20 =	sadd.s32 $0x1, s20  }
0x10: {  	p0 =	sne.s32 s20, s9  }
.Ltmp1:
0x11: {  	_ = 	snop;
	(pc) =	sbr.rel @!p0 .LBB2_11-.Ltmp1, $4  }
0x12: {  	[hbm4b:s8+s2] =	stream.linear.scatter [tilespmem:s17], [sflag:$0x5], $0x9C40, $0x38;
	[tilespmem:$0x19D00] =	vst v63  }
0x13: {  	_ =	swait.ge [sflag:s10], $0x9C40  }
0x14: {  	[sflag:s10] =	ssyncset.done $0x0  }
0x15: {  	[sflag:s10] =	ssyncadd.s32 $0xFFFF63C0  }
.LBB2_1:
0x16: {  	[tilespmem:s2], [sflag:$0x5] =	stream.linear.gather [hbm4b:s5+s2], $0x9C40, $0x38;
	[tilespmem:$0x19D00] =	vst v63  }
0x17: {  	_ =	swait.ge [sflag:s10], $0x9C40  }
0x18: {  	[sflag:s10] =	ssyncset.done $0x0  }
0x19: {  	s22 =	simm.s32 $0x140;
	s21 =	simm.s32 $0x0;
	[sflag:s10] =	ssyncadd.s32 $0xFFFF63C0  }
.LBB2_2:
0x1a: {  	p0 =	sne.s32 s22, $0x26FC0;
	[tilespmem:s21+$0x9CC0] =	vst v0;
	s23 =	smov.u32 s22;
	s22 =	sadd.s32 $0x140, s22  }
.Ltmp2:
0x1b: {  	[tilespmem:s21+$0x9CB0] =	vst v0;
	(pc) =	sbr.rel @p0 .LBB2_2-.Ltmp2, $4  }
0x1c: {  	[tilespmem:s21+$0x9CA0] =	vst v0  }
0x1d: {  	[tilespmem:s21+$0x9C80] =	vst v0  }
0x1e: {  	[tilespmem:s21+$0x9C90] =	vst v0  }
0x1f: {  	s21 =	sshra.s32 s23, $0x2  }
0x20: {  	[tilespmem:s21+$0x9CC0] =	vst v0  }
0x21: {  	[tilespmem:s21+$0x9CB0] =	vst v0  }
0x22: {  	[tilespmem:s21+$0x9CA0] =	vst v0  }
0x23: {  	[tilespmem:s21+$0x9C80] =	vst v0  }
0x24: {  	[tilespmem:s21+$0x9C90] =	vst v0;
	s21 =	simm.s32 $0x0  }
0x25: {  	[tilespmem:s11], [sflag:$0x1] =	stream.linear.gather [hbm4b:s3+s21], $0x1900, $0x38;
	[tilespmem:$0x19D00] =	vst v63  }
0x26: {  	_ = 	snop  }
0x27: {  	[tilespmem:s12], [sflag:$0x2] =	stream.linear.gather [hbm4b:s4+s21], $0x1900, $0x38;
	[tilespmem:$0x19D00] =	vst v63  }
0x28: {  	_ = 	snop  }
0x29: {  	[tilespmem:s13], [sflag:$0x3] =	stream.linear.gather [hbm4b:s6+s21], $0x1900, $0x38;
	[tilespmem:$0x19D00] =	vst v63  }
0x2a: {  	_ = 	snop  }
0x2b: {  	[tilespmem:s14], [sflag:$0x4] =	stream.linear.gather [hbm4b:s7+s21], $0x1900, $0x38;
	[tilespmem:$0x19D00] =	vst v63  }
.LBB2_4:
0x2c: {  	_ =	swait.ge [sflag:s15], $0x1900  }
0x2d: {  	[sflag:s15] =	ssyncset.done $0x0  }
0x2e: {  	[sflag:s15] =	ssyncadd.s32 $0xFFFFE700  }
0x2f: {  	_ =	swait.ge [sflag:s16], $0x1900  }
0x30: {  	[sflag:s16] =	ssyncset.done $0x0  }
0x31: {  	s22 =	simm.s32 $0x0;
	[sflag:s16] =	ssyncadd.s32 $0xFFFFE700  }
0x32: {  	v3 =	vld [tilespmem:s22+$0x13900]  }
0x33: {  	v9 =	vld [tilespmem:s22+$0x13910]  }
0x34: {  	v10 =	vld [tilespmem:s22+$0x13920]  }
0x35: {  	v11 =	vld [tilespmem:s22+$0x13930]  }
0x36: {  	v6 =	vld [tilespmem:s22+$0x15200]  }
0x37: {  	v4 =	vld [tilespmem:s22+$0x15210]  }
0x38: {  	v2 =	vld [tilespmem:s22+$0x15220]  }
0x39: {  	v1 =	vld [tilespmem:s22+$0x15230];
	v12 =	vadd.s32 $0x2710, v3  }
0x3a: {  	v13 =	vadd.s32 $0x4E20, v3;
	v8 =	vld.idx.msk [tilespmem:v3+s2+$0x0], $0xffff  }
0x3b: {  	v14 =	vadd.s32 $0x7530, v3;
	v7 =	vld.idx.msk [tilespmem:v9+s2+$0x0], $0xffff  }
0x3c: {  	v15 =	vadd.s32 $0x2710, v9;
	v5 =	vld.idx.msk [tilespmem:v10+s2+$0x0], $0xffff  }
0x3d: {  	v16 =	vadd.s32 $0x4E20, v9;
	v3 =	vld.idx.msk [tilespmem:v11+s2+$0x0], $0xffff  }
0x3e: {  	v24 =	vadd.s32 $0x4E20, v11;
	v17 =	vld.idx.msk [tilespmem:v12+s2+$0x0], $0xffff  }
0x3f: {  	v9 =	vadd.s32 $0x7530, v9;
	v18 =	vld.idx.msk [tilespmem:v13+s2+$0x0], $0xffff  }
0x40: {  	v21 =	vadd.s32 $0x2710, v11;
	v19 =	vld.idx.msk [tilespmem:v14+s2+$0x0], $0xffff  }
0x41: {  	v12 =	vadd.s32 $0x2710, v10;
	v14 =	vld.idx.msk [tilespmem:v15+s2+$0x0], $0xffff  }
0x42: {  	v20 =	vadd.s32 $0x4E20, v10;
	v15 =	vld.idx.msk [tilespmem:v16+s2+$0x0], $0xffff  }
0x43: {  	v23 =	vadd.s32 $0x7530, v11;
	v10 =	vadd.s32 $0x7530, v10;
	v11 =	vld.idx.msk [tilespmem:v24+s2+$0x0], $0xffff  }
0x44: {  	v16 =	vld.idx.msk [tilespmem:v9+s2+$0x0], $0xffff  }
0x45: {  	v9 =	vld.idx.msk [tilespmem:v21+s2+$0x0], $0xffff  }
0x46: {  	v22 =	vadd.s32 $0x2710, v6;
	v13 =	vld.idx.msk [tilespmem:v12+s2+$0x0], $0xffff  }
0x47: {  	v12 =	vld.idx.msk [tilespmem:v20+s2+$0x0], $0xffff;
	v20 =	vadd.s32 $0x4E20, v6  }
0x48: {  	s22 =	simm.s32 $0x100;
	v21 =	vadd.s32 $0x7530, v6;
	v10 =	vld.idx.msk [tilespmem:v10+s2+$0x0], $0xffff  }
.LBB2_5:
0x49: {  	p0 =	sne.s32 s22, $0x6300;
	v23 =	vld.idx.msk [tilespmem:v23+s2+$0x0], $0xffff  }
0x4a: {  	[tilespmem:v6+s17+$0x0] =	vst.idx.add.f32.msk $0xffff, v8;
	v6 =	vadd.s32 $0x2710, v4  }
0x4b: {  	v8 =	vadd.s32 $0x4E20, v4;
	[tilespmem:v22+s17+$0x0] =	vst.idx.add.f32.msk $0xffff, v17  }
0x4c: {  	v17 =	vadd.s32 $0x7530, v4;
	[tilespmem:v20+s17+$0x0] =	vst.idx.add.f32.msk $0xffff, v18  }
0x4d: {  	[tilespmem:v21+s17+$0x0] =	vst.idx.add.f32.msk $0xffff, v19  }
0x4e: {  	[tilespmem:v4+s17+$0x0] =	vst.idx.add.f32.msk $0xffff, v7;
	v4 =	vadd.s32 $0x2710, v2  }
0x4f: {  	[tilespmem:v6+s17+$0x0] =	vst.idx.add.f32.msk $0xffff, v14;
	v6 =	vadd.s32 $0x4E20, v2  }
0x50: {  	v7 =	vadd.s32 $0x7530, v2;
	[tilespmem:v8+s17+$0x0] =	vst.idx.add.f32.msk $0xffff, v15  }
0x51: {  	[tilespmem:v17+s17+$0x0] =	vst.idx.add.f32.msk $0xffff, v16  }
0x52: {  	[tilespmem:v2+s17+$0x0] =	vst.idx.add.f32.msk $0xffff, v5;
	v2 =	vadd.s32 $0x2710, v1  }
0x53: {  	[tilespmem:v4+s17+$0x0] =	vst.idx.add.f32.msk $0xffff, v13;
	v4 =	vadd.s32 $0x4E20, v1  }
0x54: {  	v5 =	vadd.s32 $0x7530, v1;
	[tilespmem:v6+s17+$0x0] =	vst.idx.add.f32.msk $0xffff, v12  }
0x55: {  	[tilespmem:v7+s17+$0x0] =	vst.idx.add.f32.msk $0xffff, v10  }
0x56: {  	[tilespmem:v1+s17+$0x0] =	vst.idx.add.f32.msk $0xffff, v3  }
0x57: {  	[tilespmem:v2+s17+$0x0] =	vst.idx.add.f32.msk $0xffff, v9  }
0x58: {  	[tilespmem:v4+s17+$0x0] =	vst.idx.add.f32.msk $0xffff, v11  }
0x59: {  	s23 =	sshra.s32 s22, $0x2;
	[tilespmem:v5+s17+$0x0] =	vst.idx.add.f32.msk $0xffff, v23  }
0x5a: {  	v3 =	vld [tilespmem:s23+$0x13900]  }
0x5b: {  	v9 =	vld [tilespmem:s23+$0x13910]  }
0x5c: {  	v10 =	vld [tilespmem:s23+$0x13920]  }
0x5d: {  	v11 =	vld [tilespmem:s23+$0x13930]  }
0x5e: {  	v6 =	vld [tilespmem:s23+$0x15200]  }
0x5f: {  	v4 =	vld [tilespmem:s23+$0x15210]  }
0x60: {  	v2 =	vld [tilespmem:s23+$0x15220]  }
0x61: {  	v12 =	vadd.s32 $0x2710, v3;
	v1 =	vld [tilespmem:s23+$0x15230]  }
0x62: {  	v13 =	vadd.s32 $0x4E20, v3;
	v8 =	vld.idx.msk [tilespmem:v3+s2+$0x0], $0xffff  }
0x63: {  	v14 =	vadd.s32 $0x7530, v3;
	v7 =	vld.idx.msk [tilespmem:v9+s2+$0x0], $0xffff  }
0x64: {  	v15 =	vadd.s32 $0x2710, v9;
	v5 =	vld.idx.msk [tilespmem:v10+s2+$0x0], $0xffff  }
0x65: {  	v16 =	vadd.s32 $0x4E20, v9;
	v3 =	vld.idx.msk [tilespmem:v11+s2+$0x0], $0xffff  }
0x66: {  	v9 =	vadd.s32 $0x7530, v9;
	v17 =	vld.idx.msk [tilespmem:v12+s2+$0x0], $0xffff  }
0x67: {  	v12 =	vadd.s32 $0x2710, v10;
	v18 =	vld.idx.msk [tilespmem:v13+s2+$0x0], $0xffff  }
0x68: {  	v20 =	vadd.s32 $0x4E20, v10;
	v19 =	vld.idx.msk [tilespmem:v14+s2+$0x0], $0xffff  }
0x69: {  	v10 =	vadd.s32 $0x7530, v10;
	v14 =	vld.idx.msk [tilespmem:v15+s2+$0x0], $0xffff  }
0x6a: {  	v21 =	vadd.s32 $0x2710, v11;
	v15 =	vld.idx.msk [tilespmem:v16+s2+$0x0], $0xffff  }
0x6b: {  	v24 =	vadd.s32 $0x4E20, v11;
	v16 =	vld.idx.msk [tilespmem:v9+s2+$0x0], $0xffff  }
.Ltmp3:
0x6c: {  	v23 =	vadd.s32 $0x7530, v11;
	v13 =	vld.idx.msk [tilespmem:v12+s2+$0x0], $0xffff;
	(pc) =	sbr.rel @p0 .LBB2_5-.Ltmp3, $4  }
0x6d: {  	v12 =	vld.idx.msk [tilespmem:v20+s2+$0x0], $0xffff  }
0x6e: {  	v22 =	vadd.s32 $0x2710, v6;
	v10 =	vld.idx.msk [tilespmem:v10+s2+$0x0], $0xffff  }
0x6f: {  	v20 =	vadd.s32 $0x4E20, v6;
	v9 =	vld.idx.msk [tilespmem:v21+s2+$0x0], $0xffff  }
0x70: {  	s22 =	sadd.s32 $0x100, s22;
	v21 =	vadd.s32 $0x7530, v6;
	v11 =	vld.idx.msk [tilespmem:v24+s2+$0x0], $0xffff  }
0x71: {  	_ =	sdelay $0x3  }
0x72: {  	v23 =	vld.idx.msk [tilespmem:v23+s2+$0x0], $0xffff  }
0x73: {  	[tilespmem:v6+s17+$0x0] =	vst.idx.add.f32.msk $0xffff, v8;
	v6 =	vadd.s32 $0x2710, v4  }
0x74: {  	v8 =	vadd.s32 $0x4E20, v4;
	[tilespmem:v22+s17+$0x0] =	vst.idx.add.f32.msk $0xffff, v17  }
0x75: {  	v17 =	vadd.s32 $0x7530, v4;
	[tilespmem:v20+s17+$0x0] =	vst.idx.add.f32.msk $0xffff, v18  }
0x76: {  	[tilespmem:v21+s17+$0x0] =	vst.idx.add.f32.msk $0xffff, v19  }
0x77: {  	[tilespmem:v4+s17+$0x0] =	vst.idx.add.f32.msk $0xffff, v7;
	v4 =	vadd.s32 $0x2710, v2  }
0x78: {  	[tilespmem:v6+s17+$0x0] =	vst.idx.add.f32.msk $0xffff, v14;
	v6 =	vadd.s32 $0x4E20, v2  }
0x79: {  	v7 =	vadd.s32 $0x7530, v2;
	[tilespmem:v8+s17+$0x0] =	vst.idx.add.f32.msk $0xffff, v15  }
0x7a: {  	[tilespmem:v17+s17+$0x0] =	vst.idx.add.f32.msk $0xffff, v16  }
0x7b: {  	[tilespmem:v2+s17+$0x0] =	vst.idx.add.f32.msk $0xffff, v5;
	v2 =	vadd.s32 $0x2710, v1  }
0x7c: {  	[tilespmem:v4+s17+$0x0] =	vst.idx.add.f32.msk $0xffff, v13;
	v4 =	vadd.s32 $0x4E20, v1  }
0x7d: {  	p0 =	seq.s32 s21, $0x18;
	v5 =	vadd.s32 $0x7530, v1;
	[tilespmem:v6+s17+$0x0] =	vst.idx.add.f32.msk $0xffff, v12  }
0x7e: {  	s22 =	smul.u32 @!p0 $0x3200, s21;
	[tilespmem:v7+s17+$0x0] =	vst.idx.add.f32.msk $0xffff, v10  }
0x7f: {  	[tilespmem:v1+s17+$0x0] =	vst.idx.add.f32.msk $0xffff, v3  }
0x80: {  	s22 =	sshrl.u32 @!p0 s22, $0x3;
	[tilespmem:v2+s17+$0x0] =	vst.idx.add.f32.msk $0xffff, v9  }
0x81: {  	s22 =	sadd.s32 @!p0 $0x640, s22;
	[tilespmem:v4+s17+$0x0] =	vst.idx.add.f32.msk $0xffff, v11  }
0x82: {  	s24 =	simm.s32 @!p0 $0x0;
	s25 =	simm.s32 @!p0 $0x13900;
	s23 =	sadd.s32 @!p0 s3, s22;
	[tilespmem:v5+s17+$0x0] =	vst.idx.add.f32.msk $0xffff, v23  }
0x83: {  	[tilespmem:s25], [sflag:$0x1] =	stream.linear.gather @!p0 [hbm4b:s23+s24], $0x1900, $0x38;
	[tilespmem:$0x19D00] =	vst v63  }
0x84: {  	s22 =	sadd.s32 @!p0 s4, s22;
	s23 =	simm.s32 @!p0 $0x15200  }
0x85: {  	[tilespmem:s23], [sflag:$0x2] =	stream.linear.gather @!p0 [hbm4b:s22+s24], $0x1900, $0x38;
	[tilespmem:$0x19D00] =	vst v63  }
0x86: {  	_ =	swait.ge [sflag:s18], $0x1900  }
0x87: {  	[sflag:s18] =	ssyncset.done $0x0  }
0x88: {  	[sflag:s18] =	ssyncadd.s32 $0xFFFFE700  }
0x89: {  	_ =	swait.ge [sflag:s19], $0x1900  }
0x8a: {  	[sflag:s19] =	ssyncset.done $0x0  }
0x8b: {  	s31 =	simm.s32 $0x0;
	[sflag:s19] =	ssyncadd.s32 $0xFFFFE700  }
0x8c: {  	v3 =	vld [tilespmem:s31+$0x16B00]  }
0x8d: {  	v9 =	vld [tilespmem:s31+$0x16B10]  }
0x8e: {  	v10 =	vld [tilespmem:s31+$0x16B20]  }
0x8f: {  	v12 =	vld [tilespmem:s31+$0x16B30]  }
0x90: {  	v6 =	vld [tilespmem:s31+$0x18400]  }
0x91: {  	v4 =	vld [tilespmem:s31+$0x18410]  }
0x92: {  	v2 =	vld [tilespmem:s31+$0x18420]  }
0x93: {  	v1 =	vld [tilespmem:s31+$0x18430];
	v11 =	vadd.s32 $0x2710, v3  }
0x94: {  	v13 =	vadd.s32 $0x4E20, v3;
	v8 =	vld.idx.msk [tilespmem:v3+s2+$0x0], $0xffff  }
0x95: {  	v14 =	vadd.s32 $0x7530, v3;
	v7 =	vld.idx.msk [tilespmem:v9+s2+$0x0], $0xffff  }
0x96: {  	v15 =	vadd.s32 $0x2710, v9;
	v5 =	vld.idx.msk [tilespmem:v10+s2+$0x0], $0xffff  }
0x97: {  	v16 =	vadd.s32 $0x4E20, v9;
	v3 =	vld.idx.msk [tilespmem:v12+s2+$0x0], $0xffff  }
0x98: {  	v24 =	vadd.s32 $0x4E20, v12;
	v17 =	vld.idx.msk [tilespmem:v11+s2+$0x0], $0xffff  }
0x99: {  	v9 =	vadd.s32 $0x7530, v9;
	v18 =	vld.idx.msk [tilespmem:v13+s2+$0x0], $0xffff  }
0x9a: {  	v21 =	vadd.s32 $0x2710, v12;
	v19 =	vld.idx.msk [tilespmem:v14+s2+$0x0], $0xffff  }
0x9b: {  	v11 =	vadd.s32 $0x2710, v10;
	v14 =	vld.idx.msk [tilespmem:v15+s2+$0x0], $0xffff  }
0x9c: {  	v20 =	vadd.s32 $0x4E20, v10;
	v15 =	vld.idx.msk [tilespmem:v16+s2+$0x0], $0xffff  }
0x9d: {  	v23 =	vadd.s32 $0x7530, v12;
	v10 =	vadd.s32 $0x7530, v10;
	v12 =	vld.idx.msk [tilespmem:v24+s2+$0x0], $0xffff  }
0x9e: {  	v16 =	vld.idx.msk [tilespmem:v9+s2+$0x0], $0xffff  }
0x9f: {  	v9 =	vld.idx.msk [tilespmem:v21+s2+$0x0], $0xffff  }
0xa0: {  	v22 =	vadd.s32 $0x2710, v6;
	v13 =	vld.idx.msk [tilespmem:v11+s2+$0x0], $0xffff  }
0xa1: {  	v11 =	vld.idx.msk [tilespmem:v20+s2+$0x0], $0xffff;
	v20 =	vadd.s32 $0x4E20, v6  }
0xa2: {  	s22 =	simm.s32 $0x100;
	v21 =	vadd.s32 $0x7530, v6;
	v10 =	vld.idx.msk [tilespmem:v10+s2+$0x0], $0xffff  }
.LBB2_7:
0xa3: {  	p1 =	sne.s32 s22, $0x6300;
	v23 =	vld.idx.msk [tilespmem:v23+s2+$0x0], $0xffff  }
0xa4: {  	[tilespmem:v6+s17+$0x0] =	vst.idx.add.f32.msk $0xffff, v8;
	v6 =	vadd.s32 $0x2710, v4  }
0xa5: {  	v8 =	vadd.s32 $0x4E20, v4;
	[tilespmem:v22+s17+$0x0] =	vst.idx.add.f32.msk $0xffff, v17  }
0xa6: {  	v17 =	vadd.s32 $0x7530, v4;
	[tilespmem:v20+s17+$0x0] =	vst.idx.add.f32.msk $0xffff, v18  }
0xa7: {  	[tilespmem:v21+s17+$0x0] =	vst.idx.add.f32.msk $0xffff, v19  }
0xa8: {  	[tilespmem:v4+s17+$0x0] =	vst.idx.add.f32.msk $0xffff, v7;
	v4 =	vadd.s32 $0x2710, v2  }
0xa9: {  	[tilespmem:v6+s17+$0x0] =	vst.idx.add.f32.msk $0xffff, v14;
	v6 =	vadd.s32 $0x4E20, v2  }
0xaa: {  	v7 =	vadd.s32 $0x7530, v2;
	[tilespmem:v8+s17+$0x0] =	vst.idx.add.f32.msk $0xffff, v15  }
0xab: {  	[tilespmem:v17+s17+$0x0] =	vst.idx.add.f32.msk $0xffff, v16  }
0xac: {  	[tilespmem:v2+s17+$0x0] =	vst.idx.add.f32.msk $0xffff, v5;
	v2 =	vadd.s32 $0x2710, v1  }
0xad: {  	[tilespmem:v4+s17+$0x0] =	vst.idx.add.f32.msk $0xffff, v13;
	v4 =	vadd.s32 $0x4E20, v1  }
0xae: {  	v5 =	vadd.s32 $0x7530, v1;
	[tilespmem:v6+s17+$0x0] =	vst.idx.add.f32.msk $0xffff, v11  }
0xaf: {  	[tilespmem:v7+s17+$0x0] =	vst.idx.add.f32.msk $0xffff, v10  }
0xb0: {  	[tilespmem:v1+s17+$0x0] =	vst.idx.add.f32.msk $0xffff, v3  }
0xb1: {  	[tilespmem:v2+s17+$0x0] =	vst.idx.add.f32.msk $0xffff, v9  }
0xb2: {  	[tilespmem:v4+s17+$0x0] =	vst.idx.add.f32.msk $0xffff, v12  }
0xb3: {  	s23 =	sshra.s32 s22, $0x2;
	[tilespmem:v5+s17+$0x0] =	vst.idx.add.f32.msk $0xffff, v23  }
0xb4: {  	v3 =	vld [tilespmem:s23+$0x16B00]  }
0xb5: {  	v9 =	vld [tilespmem:s23+$0x16B10]  }
0xb6: {  	v10 =	vld [tilespmem:s23+$0x16B20]  }
0xb7: {  	v11 =	vld [tilespmem:s23+$0x16B30]  }
0xb8: {  	v6 =	vld [tilespmem:s23+$0x18400]  }
0xb9: {  	v4 =	vld [tilespmem:s23+$0x18410]  }
0xba: {  	v2 =	vld [tilespmem:s23+$0x18420]  }
0xbb: {  	v12 =	vadd.s32 $0x2710, v3;
	v1 =	vld [tilespmem:s23+$0x18430]  }
0xbc: {  	v13 =	vadd.s32 $0x4E20, v3;
	v8 =	vld.idx.msk [tilespmem:v3+s2+$0x0], $0xffff  }
0xbd: {  	v14 =	vadd.s32 $0x7530, v3;
	v7 =	vld.idx.msk [tilespmem:v9+s2+$0x0], $0xffff  }
0xbe: {  	v15 =	vadd.s32 $0x2710, v9;
	v5 =	vld.idx.msk [tilespmem:v10+s2+$0x0], $0xffff  }
0xbf: {  	v16 =	vadd.s32 $0x4E20, v9;
	v3 =	vld.idx.msk [tilespmem:v11+s2+$0x0], $0xffff  }
0xc0: {  	v9 =	vadd.s32 $0x7530, v9;
	v17 =	vld.idx.msk [tilespmem:v12+s2+$0x0], $0xffff  }
0xc1: {  	v12 =	vadd.s32 $0x2710, v10;
	v18 =	vld.idx.msk [tilespmem:v13+s2+$0x0], $0xffff  }
0xc2: {  	v20 =	vadd.s32 $0x4E20, v10;
	v19 =	vld.idx.msk [tilespmem:v14+s2+$0x0], $0xffff  }
0xc3: {  	v10 =	vadd.s32 $0x7530, v10;
	v14 =	vld.idx.msk [tilespmem:v15+s2+$0x0], $0xffff  }
0xc4: {  	v21 =	vadd.s32 $0x2710, v11;
	v15 =	vld.idx.msk [tilespmem:v16+s2+$0x0], $0xffff  }
0xc5: {  	v24 =	vadd.s32 $0x4E20, v11;
	v16 =	vld.idx.msk [tilespmem:v9+s2+$0x0], $0xffff  }
.Ltmp4:
0xc6: {  	v23 =	vadd.s32 $0x7530, v11;
	v13 =	vld.idx.msk [tilespmem:v12+s2+$0x0], $0xffff;
	(pc) =	sbr.rel @p1 .LBB2_7-.Ltmp4, $4  }
0xc7: {  	v11 =	vld.idx.msk [tilespmem:v20+s2+$0x0], $0xffff  }
0xc8: {  	v22 =	vadd.s32 $0x2710, v6;
	v10 =	vld.idx.msk [tilespmem:v10+s2+$0x0], $0xffff  }
0xc9: {  	v20 =	vadd.s32 $0x4E20, v6;
	v9 =	vld.idx.msk [tilespmem:v21+s2+$0x0], $0xffff  }
0xca: {  	s22 =	sadd.s32 $0x100, s22;
	v21 =	vadd.s32 $0x7530, v6;
	v12 =	vld.idx.msk [tilespmem:v24+s2+$0x0], $0xffff  }
0xcb: {  	_ =	sdelay $0x3  }
0xcc: {  	v23 =	vld.idx.msk [tilespmem:v23+s2+$0x0], $0xffff  }
0xcd: {  	[tilespmem:v6+s17+$0x0] =	vst.idx.add.f32.msk $0xffff, v8;
	v56 =	vadd.s32 $0x2710, v4  }
0xce: {  	v57 =	vadd.s32 $0x4E20, v4;
	[tilespmem:v22+s17+$0x0] =	vst.idx.add.f32.msk $0xffff, v17  }
0xcf: {  	v58 =	vadd.s32 $0x7530, v4;
	[tilespmem:v20+s17+$0x0] =	vst.idx.add.f32.msk $0xffff, v18  }
0xd0: {  	[tilespmem:v21+s17+$0x0] =	vst.idx.add.f32.msk $0xffff, v19  }
0xd1: {  	v59 =	vadd.s32 $0x2710, v2;
	[tilespmem:v4+s17+$0x0] =	vst.idx.add.f32.msk $0xffff, v7  }
0xd2: {  	v60 =	vadd.s32 $0x4E20, v2;
	[tilespmem:v56+s17+$0x0] =	vst.idx.add.f32.msk $0xffff, v14  }
0xd3: {  	v61 =	vadd.s32 $0x7530, v2;
	[tilespmem:v57+s17+$0x0] =	vst.idx.add.f32.msk $0xffff, v15  }
0xd4: {  	[tilespmem:v58+s17+$0x0] =	vst.idx.add.f32.msk $0xffff, v16  }
0xd5: {  	[tilespmem:v2+s17+$0x0] =	vst.idx.add.f32.msk $0xffff, v5;
	v2 =	vadd.s32 $0x2710, v1  }
0xd6: {  	v62 =	vadd.s32 $0x4E20, v1;
	[tilespmem:v59+s17+$0x0] =	vst.idx.add.f32.msk $0xffff, v13  }
0xd7: {  	v63 =	vadd.s32 $0x7530, v1;
	[tilespmem:v60+s17+$0x0] =	vst.idx.add.f32.msk $0xffff, v11  }
.Ltmp5:
0xd8: {  	[tilespmem:v61+s17+$0x0] =	vst.idx.add.f32.msk $0xffff, v10;
	(pc) =	sbr.rel @p0 .LBB2_10-.Ltmp5, $4  }
0xd9: {  	[tilespmem:v1+s17+$0x0] =	vst.idx.add.f32.msk $0xffff, v3  }
0xda: {  	[tilespmem:v2+s17+$0x0] =	vst.idx.add.f32.msk $0xffff, v9  }
0xdb: {  	[tilespmem:v62+s17+$0x0] =	vst.idx.add.f32.msk $0xffff, v12  }
0xdc: {  	[tilespmem:v63+s17+$0x0] =	vst.idx.add.f32.msk $0xffff, v23  }
0xdd: {  	s22 =	smul.u32 $0x3200, s21;
	_ =	sdelay $0x1  }
0xde: {  	s22 =	sshrl.u32 s22, $0x3  }
.Ltmp6:
0xdf: {  	s22 =	sadd.s32 $0x960, s22;
	(pc) =	sbr.rel .LBB2_4-.Ltmp6, $4  }
0xe0: {  	s23 =	sadd.s32 s3, s22  }
0xe1: {  	[tilespmem:s13], [sflag:$0x3] =	stream.linear.gather [hbm4b:s23+s2], $0x1900, $0x38;
	[tilespmem:$0x19D00] =	vst v63  }
0xe2: {  	s21 =	sadd.s32 $0x1, s21;
	s22 =	sadd.s32 s4, s22  }
0xe3: {  	[tilespmem:s14], [sflag:$0x4] =	stream.linear.gather [hbm4b:s22+s2], $0x1900, $0x38;
	[tilespmem:$0x19D00] =	vst v63  }
.LBB2_11:
0xe4: {  	_ =	sfence.sel $0x180000  }
0xe5: {  	[bflag:$0x0] =	sbarrier.arrive $0xFFFF  }
0xe6: {  	p0 =	sne.s32 s1, $0x0;
	_ =	strace $0x9000004A  }
0xe7: {  	s0 =	sadd.s32 @!p0 $0x100000, s0;
	[bflag:$0x2] =	sbarrier.arrive $0xFFFF  }
0xe8: {  	[sflag:s0] =	ssyncadd.tile.s32 @!p0 $0x1;
	_ =	shalt  }
.Lfunc_end2:
_tile_overlayer_lowered:
.L_overlay_start_2:
0xe9: {  	(tag) =	ssettag $0x2  }
0xea: {  	s0 =	rddreg [dreg:$0x0];
	s2 =	stileid.u32  }
0xeb: {  	s1 =	rddreg [dreg:$0x1];
	p0 =	sne.s32 s2, $0x0  }
0xec: {  	s3 =	rddreg [dreg:$0x2];
	[bflag:$0x3] =	sbarrier.arrive $0xFFFF;
	s2 =	simm.s32 @!p0 $0x1C05  }
0xed: {  	[timem:s3], [sflag:s2] =	dma.local @!p0 [hbm:s0], s1  }
0xee: {  	s0 =	simm.s32 @!p0 $0x5  }
0xef: {  	_ =	swait.ge @!p0 [sflag:s0], s1  }
0xf0: {  	s1 =	ssub.s32 @!p0 $0x0, s1;
	[sflag:s0] =	ssyncset.done @!p0 $0x0  }
0xf1: {  	[sflag:s0] =	ssyncadd.s32 @!p0 s1  }
0xf2: {  	[bflag:$0x3] =	sbarrier.arrive $0xFFFF  }
0xf3: {  	_ =	shalt  }

// kernel: kernel.7.cloned.1.call-start
scs
__scs_entry_jumppad:
0x0: {  	(pc) =	sbr.rel $0x88, $3  }
0x1: {  	(tag) =	ssettag $0x0;
	lr =	simm.s32 $0x1  }
0x2: {  	[smem:$0x3F99] =	sst lr;
	_ =	strace $0xD0000000  }
0x3: {  	_ = 	snop  }
0x4: {  	_ = 	snop  }
0x5: {  	_ = 	snop  }
0x6: {  	_ = 	snop  }
0x7: {  	_ = 	snop  }
__scs_overlays_trampoline_lowered:
0x8: {  	[smem:$0x3FA8] =	sst s0  }
0x9: {  	[smem:$0x3FA9] =	sst s1  }
0xa: {  	[smem:$0x3FAA] =	sst s2  }
0xb: {  	[smem:$0x3FAB] =	sst s3  }
0xc: {  	[smem:$0x3FAC] =	sst s4  }
0xd: {  	[smem:$0x3FAD] =	sst s5  }
0xe: {  	[smem:$0x3FAE] =	sst s6  }
0xf: {  	[smem:$0x3FAF] =	sst s7  }
0x10: {  	[smem:$0x3FB0] =	sst s8  }
0x11: {  	[smem:$0x3FB1] =	sst s9;
	s0 =	simm.s32 @!p0 $0x0  }
0x12: {  	s1 =	sld [smem:$0x3F97];
	s0 =	simm.s32 @p0 $0x1  }
0x13: {  	[smem:$0x3FB2] =	sst s0;
	s0 =	simm.s32 @!p1 $0x0  }
0x14: {  	s2 =	sld [smem:$0x3F96];
	s0 =	simm.s32 @p1 $0x1  }
0x15: {  	[smem:$0x3FB3] =	sst s0;
	s0 =	simm.s32 @!p2 $0x0  }
0x16: {  	s3 =	sld [smem:$0x3FDB];
	s0 =	simm.s32 @p2 $0x1  }
0x17: {  	s4 =	simm.s32 $0x1BF5;
	[smem:$0x3FB5] =	sst s0  }
0x18: {  	s0 =	sld [smem:$0x3F98];
	_ =	swait.ge [sflag:s4], $0x0  }
0x19: {  	s7 =	sld [smem:$0x3F99]  }
0x1a: {  	s8 =	sadd.s32 $0xFFFFE003, lr  }
0x1b: {  	s9 =	sadd.s32 $0xFFFFFEF7, lr;
	s5 =	simm.s32 $0xFFFFFFFF;
	p2 =	slt.u32 s8, $0xFFFFF086  }
0x1c: {  	p1 =	slt.u32 s9, $0xF7A;
	s5 =	simm.s32 @!p2 $0x0  }
0x1d: {  	s5 =	simm.s32 @p1 $0x1;
	p0 =	seq.s32 s7, s2  }
0x1e: {  	s7 =	smul.u32 @!p0 $0xF7A, s2;
	p2 =	seq.s32 @!p0 s5, $0x0  }
0x1f: {  	s9 =	smul.u32 $0xF7A, s1;
	s8 =	simm.s32 @!p0 $0x1BF5;
	p2 =	por !p2, p0  }
0x20: {  	[sflag:s8] =	ssyncset.s32 @!p0 $0xFFFFF086;
	s6 =	sadd.s32 @!p0 s3, s7;
	s7 =	simm.s32 @!p0 $0x108  }
0x21: {  	s3 =	sadd.s32 s3, s9;
	s6 =	sadd.s32 @!p0 $0x88, s6;
	s7 =	simm.s32 @p2 $0x1082  }
0x22: {  	[simem:s7], [sflag:s8] =	dma.local @!p0 [hbm:s6], $0xF7A  }
0x23: {  	s9 =	sor.u32 $0xD0000000, s2;
	s6 =	simm.s32 $0x108;
	_ =	swait.ge @!p0 [sflag:s8], $0x0  }
0x24: {  	s3 =	sadd.s32 $0x88, s3;
	s6 =	simm.s32 @!p1 $0x1082;
	[sflag:s4] =	ssyncset.s32 $0xFFFFF086  }
0x25: {  	[simem:s6], [sflag:s4] =	dma.local [hbm:s3], $0xF7A  }
0x26: {  	[smem:$0x3F99] =	sst s1;
	(tag) =	ssettag s2;
	_ =	strace s9  }
0x27: {  	s1 =	sld [smem:$0x3FA9]  }
0x28: {  	s2 =	sld [smem:$0x3FAA]  }
0x29: {  	s4 =	sld [smem:$0x3FAC]  }
0x2a: {  	p0 =	seq.s32 s5, $0x0;
	s5 =	sld [smem:$0x3FAD]  }
0x2b: {  	s6 =	sld [smem:$0x3FAE]  }
0x2c: {  	s7 =	sld [smem:$0x3FAF]  }
0x2d: {  	s3 =	simm.s32 $0x108;
	s8 =	sld [smem:$0x3FB0]  }
0x2e: {  	s3 =	simm.s32 @!p0 $0x1082;
	s9 =	sld [smem:$0x3FB1]  }
0x2f: {  	lr =	sadd.s32 s0, s3;
	s0 =	sld [smem:$0x3FA8]  }
0x30: {  	s3 =	sld [smem:$0x3FAB]  }
0x31: {  	[smem:$0x3FB4] =	sst s10  }
0x32: {  	s10 =	sld [smem:$0x3FB2];
	_ =	sdelay $0x3  }
0x33: {  	p0 =	seq.s32 s10, $0x1;
	s10 =	sld [smem:$0x3FB4];
	_ =	sdelay $0x3  }
0x34: {  	[smem:$0x3FB4] =	sst s10  }
0x35: {  	s10 =	sld [smem:$0x3FB3];
	_ =	sdelay $0x3  }
0x36: {  	p1 =	seq.s32 s10, $0x1;
	s10 =	sld [smem:$0x3FB4];
	_ =	sdelay $0x3  }
0x37: {  	[smem:$0x3FB4] =	sst s10  }
0x38: {  	s10 =	sld [smem:$0x3FB5]  }
0x39: {  	_ = 	snop;
	(pc) =	sbr.ind lr, $3  }
0x3a: {  	_ = 	snop  }
0x3b: {  	_ = 	snop  }
0x3c: {  	p2 =	seq.s32 s10, $0x1;
	s10 =	sld [smem:$0x3FB4]  }
0x3d: {  	_ =	shalt  }
0x3e: {  	_ =	shalt  }
0x3f: {  	_ =	shalt  }
0x40: {  	_ =	shalt  }
0x41: {  	_ =	shalt  }
0x42: {  	_ =	shalt  }
0x43: {  	_ =	shalt  }
0x44: {  	_ =	shalt  }
0x45: {  	_ =	shalt  }
0x46: {  	_ =	shalt  }
0x47: {  	_ =	shalt  }
0x48: {  	_ =	shalt  }
0x49: {  	_ =	shalt  }
0x4a: {  	_ =	shalt  }
0x4b: {  	_ =	shalt  }
0x4c: {  	_ =	shalt  }
0x4d: {  	_ =	shalt  }
0x4e: {  	_ =	shalt  }
0x4f: {  	_ =	shalt  }
0x50: {  	_ =	shalt  }
0x51: {  	_ =	shalt  }
0x52: {  	_ =	shalt  }
0x53: {  	_ =	shalt  }
0x54: {  	_ =	shalt  }
0x55: {  	_ =	shalt  }
0x56: {  	_ =	shalt  }
0x57: {  	_ =	shalt  }
0x58: {  	_ =	shalt  }
0x59: {  	_ =	shalt  }
0x5a: {  	_ =	shalt  }
0x5b: {  	_ =	shalt  }
0x5c: {  	_ =	shalt  }
0x5d: {  	_ =	shalt  }
0x5e: {  	_ =	shalt  }
0x5f: {  	_ =	shalt  }
0x60: {  	_ =	shalt  }
0x61: {  	_ =	shalt  }
0x62: {  	_ =	shalt  }
0x63: {  	_ =	shalt  }
0x64: {  	_ =	shalt  }
0x65: {  	_ =	shalt  }
0x66: {  	_ =	shalt  }
0x67: {  	_ =	shalt  }
0x68: {  	_ =	shalt  }
0x69: {  	_ =	shalt  }
0x6a: {  	_ =	shalt  }
0x6b: {  	_ =	shalt  }
0x6c: {  	_ =	shalt  }
0x6d: {  	_ =	shalt  }
0x6e: {  	_ =	shalt  }
0x6f: {  	_ =	shalt  }
0x70: {  	_ =	shalt  }
0x71: {  	_ =	shalt  }
0x72: {  	_ =	shalt  }
0x73: {  	_ =	shalt  }
0x74: {  	_ =	shalt  }
0x75: {  	_ =	shalt  }
0x76: {  	_ =	shalt  }
0x77: {  	_ =	shalt  }
0x78: {  	_ =	shalt  }
0x79: {  	_ =	shalt  }
0x7a: {  	_ =	shalt  }
0x7b: {  	_ =	shalt  }
0x7c: {  	_ =	shalt  }
0x7d: {  	_ =	shalt  }
0x7e: {  	_ =	shalt  }
0x7f: {  	_ =	shalt  }
0x80: {  	_ =	shalt  }
0x81: {  	_ =	shalt  }
0x82: {  	_ =	shalt  }
0x83: {  	_ =	shalt  }
0x84: {  	_ =	shalt  }
0x85: {  	_ =	shalt  }
0x86: {  	_ =	shalt  }
0x87: {  	_ =	shalt  }
.Lfunc_end0:
.L_simem_size_0:
called_computation_lowered:
.L_overlay_start_0:
0x88: {  	s2 =	sld [smem:$0x3FD9]  }
0x89: {  	s3 =	sld [smem:$0x3FFE];
	_ =	sdelay $0x1  }
0x8a: {  	s1 =	srdreg.scid  }
0x8b: {  	s0 =	sand.u32 $0x1, s1  }
0x8c: {  	s17 =	sshll.u32 s0, $0xA;
	s2 =	sadd.s32 s3, s2  }
0x8d: {  	s2 =	sadd.s32 s2, s17  }
0x8e: {  	[smem:$0x3FC0] =	sst s2  }
0x8f: {  	_ = 	snop  }
0x90: {  	s2 =	sld [smem:$0x3FD0];
	(tm) =	ssettm $0x1  }
0x91: {  	s18 =	sld [smem:$0x3FFB];
	_ =	sdelay $0x3  }
0x92: {  	_ =	strace s18  }
0x93: {  	s3 =	sld [smem:$0x3FFC];
	_ =	sdelay $0x3  }
0x94: {  	_ =	strace s3  }
0x95: {  	s3 =	sld [smem:$0x3FFD];
	_ =	sdelay $0x3  }
0x96: {  	_ =	strace s3  }
0x97: {  	_ =	strace $0x8FFFFFFF  }
0x98: {  	s19 =	sld [smem:$0x3FDB];
	_ =	sdelay $0x1  }
0x99: {  	s4 =	simm.s32 $_scs_section_size  }
0x9a: {  	s5 =	simm.s32 $_size__tile_overlayer_lowered;
	s6 =	simm.s32 $_tile_overlayer_lowered  }
0x9b: {  	s22 =	simm.s32 $0x1BFF;
	s21 =	sshll.u32 s6, $0x1;
	s3 =	sadd.s32 s4, s19  }
0x9c: {  	s7 =	simm.s32 $0x0;
	s20 =	sshll.u32 s5, $0x1;
	s5 =	sadd.s32 s21, s3  }
0x9d: {  	[timem:s7], [sflag:s22] =	dma.local [hbm:s5], s20  }
0x9e: {  	_ =	swait.ge [sflag:s22], s20  }
0x9f: {  	s4 =	ssub.s32 $0x0, s20;
	[sflag:s22] =	ssyncset.done $0x0  }
0xa0: {  	[sflag:s22] =	ssyncadd.s32 s4;
	_ =	sdelay $0x1  }
0xa1: {  	s23 =	simm.s32 $0x1B8B  }
0xa2: {  	_ =	swait.ge [sflag:s23], $0x1  }
0xa3: {  	[sflag:s23] =	ssyncset.done $0x0  }
0xa4: {  	s25 =	simm.s32 $0x1B8E;
	s24 =	sld [smem:$0x3FFE];
	[sflag:s23] =	ssyncadd.s32 $0xFFFFFFFF  }
0xa5: {  	s26 =	simm.s32 $execute0_lowered;
	[smem:$0x3FD2] =	sst s25  }
0xa6: {  	s5 =	sshll.u32 s26, $0x1;
	_ =	strace $0x80000046;
	[dreg:$0x1] =	wrdreg $0xFFFFFFFF  }
0xa7: {  	s28 =	simm.s32 $_size_execute0_lowered;
	s3 =	sadd.s32 s3, s5;
	[dreg:$0x0] =	wrdreg $0x0  }
0xa8: {  	s5 =	sshll.u32 s28, $0x1;
	[dreg:$0x2] =	wrdreg s3  }
0xa9: {  	[dreg:$0x3] =	wrdreg s5  }
0xaa: {  	[dreg:$0x4] =	wrdreg $0xC0  }
0xab: {  	_ =	task [dreg:s7], $0x5FFFF  }
0xac: {  	[dreg:$0x1] =	wrdreg $0xFFFFFFFF  }
0xad: {  	[dreg:$0x0] =	wrdreg $0x60  }
0xae: {  	[dreg:$0x2] =	wrdreg s2  }
0xaf: {  	[dreg:$0x3] =	wrdreg s24  }
0xb0: {  	[dreg:$0x4] =	wrdreg $0x9  }
0xb1: {  	_ =	task.clear_ibuf [dreg:s7], $0x5FFFF;
	_ =	strace $0x90000046  }
0xb2: {  	s29 =	simm.s32 $0x9;
	_ =	strace $0x80000048  }
0xb3: {  	_ =	swait.ge [sflag:s29], $0x1  }
0xb4: {  	[sflag:s29] =	ssyncadd.s32 $0xFFFFFFFF  }
0xb5: {  	_ =	strace $0x90000048  }
0xb6: {  	_ =	sfence  }
0xb7: {  	s30 =	sld [smem:$0x0];
	_ =	sdelay $0x2  }
0xb8: {  	s31 =	sshll.u32 s1, $0xD;
	s1 =	sshrl.u32 s1, $0x2  }
0xb9: {  	s3 =	sand.u32 $0x4000, s31;
	s1 =	sadd.s32 s1, s30  }
0xba: {  	s0 =	sor.u32 s3, s0;
	s1 =	sshll.u32 s1, $0x11  }
0xbb: {  	s0 =	sor.u32 s1, s0  }
0xbc: {  	s0 =	sadd.s32 $0x8F2B, s0  }
0xbd: {  	[sflag:s0] =	ssyncadd.remote.s32 $0x1  }
0xbe: {  	_ =	sfence.sel $0xFFFF  }
0xbf: {  	[dreg:$0x0] =	wrdreg $0xFFFFFFFF;
	(pc) =	sbr.abs _section_cstart, $3  }
0xc0: {  	[dreg:$0x1] =	wrdreg $0xFFFFFFFF  }
0xc1: {  	_ =	task.clear_ibuf [dreg:s7], $0x2FFFF;
	_ =	strace $0x9FFFFFFF  }
0xc2: {  	(tm) =	ssettm $0x7FFFFFFF  }
0xc3: {  	_ =	shalt  }
tec
execute0_lowered:
.L_overlay_start_1:
0x0: {  	(tag) =	ssettag $0x1  }
0x1: {  	s0 =	rddreg [dreg:$0x0]  }
0x2: {  	s1 =	rddreg [dreg:$0x1]  }
0x3: {  	s2 =	srdreg.scid;
	s4 =	stileid.u32  }
0x4: {  	s12 =	simm.s32 $0x5;
	s14 =	simm.s32 $0x15200;
	s15 =	simm.s32 $0x16B00  }
0x5: {  	s16 =	simm.s32 $0x18400;
	s17 =	simm.s32 $0x1;
	s18 =	simm.s32 $0x2  }
0x6: {  	s19 =	simm.s32 $0x9C80;
	s20 =	simm.s32 $0x3;
	s21 =	simm.s32 $0x4  }
0x7: {  	s22 =	simm.s32 $0x1C480;
	s23 =	simm.s32 $0x19D00;
	s24 =	simm.s32 $0x80  }
0x8: {  	s25 =	simm.s32 $0x400;
	s26 =	simm.s32 $0x0;
	s5 =	sand.u32 $0x1, s2  }
0x9: {  	s3 =	sshll.u32 s4, $0x1;
	s2 =	simm.s32 $0x0;
	s28 =	sshrl.u32 s4, $0x2  }
0xa: {  	s6 =	sor.u32 s5, s3;
	[smem:$0x7FF] =	sst s2;
	s4 =	smul.u32 $0x13C00, s28  }
0xb: {  	s3 =	sadd.s32 $0xB400, s1;
	s5 =	ssub.s32 $0x2, s5;
	s29 =	sshll.u32 s6, $0x7  }
0xc: {  	_ =	strace $0x80000047;
	s8 =	smul.u32 $0x1388, s6;
	s30 =	sshrl.u32 s5, $0x1  }
0xd: {  	s31 =	smul.u32 $0x4E2, s6;
	s6 =	sadd.s32 $0xB720, s1;
	s7 =	sand.u32 $0x380, s29  }
0xe: {  	s11 =	ssub.s32 s5, s30;
	s7 =	sor.u32 s4, s7;
	s4 =	sadd.s32 $0x1600, s1  }
0xf: {  	s9 =	sadd.s32 s8, s1;
	s5 =	sadd.s32 s0, s8;
	s7 =	sshrl.u32 s7, $0x3  }
0x10: {  	s11 =	smax.u32 s11, $0x1;
	s8 =	sadd.s32 $0x15200, s9;
	s10 =	sadd.s32 s7, s1  }
0x11: {  	v0 =	vimm.f32 $0.0e+00;
	v1 =	vimm.f32 $1.000000000e+00;
	s9 =	sadd.s32 s4, s31;
	s7 =	sadd.s32 $0x1920, s1;
	s10 =	sadd.s32 $0x3C400, s10  }
.LBB2_1:
0x12: {  	[tilespmem:s2], [sflag:$0x5] =	stream.linear.gather [hbm4b:s5+s2], $0x9C40, $0x38;
	[tilespmem:$0x1EC00] =	vst v63  }
0x13: {  	_ =	swait.ge [sflag:s12], $0x9C40  }
0x14: {  	[sflag:s12] =	ssyncset.done $0x0  }
0x15: {  	s1 =	simm.s32 $0x140;
	s0 =	simm.s32 $0x0;
	[sflag:s12] =	ssyncadd.s32 $0xFFFF63C0  }
.LBB2_2:
0x16: {  	p0 =	sne.s32 s1, $0x26FC0;
	[tilespmem:s0+$0x9CC0] =	vst v0;
	s28 =	smov.u32 s1;
	s1 =	sadd.s32 $0x140, s1  }
.Ltmp0:
0x17: {  	[tilespmem:s0+$0x9CB0] =	vst v0;
	(pc) =	sbr.rel @p0 .LBB2_2-.Ltmp0, $4  }
0x18: {  	[tilespmem:s0+$0x9CA0] =	vst v0  }
0x19: {  	[tilespmem:s0+$0x9C80] =	vst v0  }
0x1a: {  	[tilespmem:s0+$0x9C90] =	vst v0  }
0x1b: {  	s0 =	sshra.s32 s28, $0x2  }
0x1c: {  	[tilespmem:s0+$0x9CC0] =	vst v0  }
0x1d: {  	[tilespmem:s0+$0x9CB0] =	vst v0  }
0x1e: {  	[tilespmem:s0+$0x9CA0] =	vst v0  }
0x1f: {  	[tilespmem:s0+$0x9C80] =	vst v0  }
0x20: {  	[tilespmem:s0+$0x9C90] =	vst v0;
	s1 =	simm.s32 $0x140;
	s0 =	simm.s32 $0x0  }
.LBB2_4:
0x21: {  	p0 =	sne.s32 s1, $0x9B00;
	[tilespmem:s0+$0x19D40] =	vst v0;
	s28 =	smov.u32 s1;
	s1 =	sadd.s32 $0x140, s1  }
.Ltmp1:
0x22: {  	[tilespmem:s0+$0x19D30] =	vst v0;
	(pc) =	sbr.rel @p0 .LBB2_4-.Ltmp1, $4  }
0x23: {  	[tilespmem:s0+$0x19D20] =	vst v0  }
0x24: {  	[tilespmem:s0+$0x19D00] =	vst v0  }
0x25: {  	[tilespmem:s0+$0x19D10] =	vst v0  }
0x26: {  	s0 =	sshra.s32 s28, $0x2  }
0x27: {  	[tilespmem:s0+$0x19D40] =	vst v0  }
0x28: {  	[tilespmem:s0+$0x19D30] =	vst v0  }
0x29: {  	[tilespmem:s0+$0x19D20] =	vst v0  }
0x2a: {  	[tilespmem:s0+$0x19D00] =	vst v0  }
0x2b: {  	[tilespmem:s0+$0x19D10] =	vst v0;
	s28 =	simm.s32 $0x0;
	s31 =	simm.s32 $0x13900  }
0x2c: {  	[tilespmem:s31], [sflag:$0x1] =	stream.linear.gather [hbm4b:s3+s28], $0x1900, $0x38;
	[tilespmem:$0x1EC00] =	vst v63  }
0x2d: {  	_ = 	snop  }
0x2e: {  	[tilespmem:s14], [sflag:$0x2] =	stream.linear.gather [hbm4b:s4+s28], $0x1900, $0x38;
	[tilespmem:$0x1EC00] =	vst v63  }
0x2f: {  	_ = 	snop  }
0x30: {  	[tilespmem:s15], [sflag:$0x3] =	stream.linear.gather [hbm4b:s6+s28], $0x1900, $0x38;
	[tilespmem:$0x1EC00] =	vst v63  }
0x31: {  	_ = 	snop  }
0x32: {  	[tilespmem:s16], [sflag:$0x4] =	stream.linear.gather [hbm4b:s7+s28], $0x1900, $0x38;
	[tilespmem:$0x1EC00] =	vst v63  }
.LBB2_6:
0x33: {  	_ =	swait.ge [sflag:s17], $0x1900  }
0x34: {  	[sflag:s17] =	ssyncset.done $0x0  }
0x35: {  	[sflag:s17] =	ssyncadd.s32 $0xFFFFE700  }
0x36: {  	_ =	swait.ge [sflag:s18], $0x1900  }
0x37: {  	[sflag:s18] =	ssyncset.done $0x0  }
0x38: {  	s0 =	simm.s32 $0x0;
	[sflag:s18] =	ssyncadd.s32 $0xFFFFE700  }
0x39: {  	v4 =	vld [tilespmem:s0+$0x13900]  }
0x3a: {  	v10 =	vld [tilespmem:s0+$0x13910]  }
0x3b: {  	v11 =	vld [tilespmem:s0+$0x13920]  }
0x3c: {  	v12 =	vld [tilespmem:s0+$0x13930]  }
0x3d: {  	v7 =	vld [tilespmem:s0+$0x15200]  }
0x3e: {  	v5 =	vld [tilespmem:s0+$0x15210]  }
0x3f: {  	v3 =	vld [tilespmem:s0+$0x15220]  }
0x40: {  	v2 =	vld [tilespmem:s0+$0x15230];
	v13 =	vadd.s32 $0x2710, v4  }
0x41: {  	v14 =	vadd.s32 $0x4E20, v4;
	v9 =	vld.idx.msk [tilespmem:v4+s2+$0x0], $0xffff  }
0x42: {  	v15 =	vadd.s32 $0x7530, v4;
	v8 =	vld.idx.msk [tilespmem:v10+s2+$0x0], $0xffff  }
0x43: {  	v16 =	vadd.s32 $0x2710, v10;
	v6 =	vld.idx.msk [tilespmem:v11+s2+$0x0], $0xffff  }
0x44: {  	v17 =	vadd.s32 $0x4E20, v10;
	v4 =	vld.idx.msk [tilespmem:v12+s2+$0x0], $0xffff  }
0x45: {  	v25 =	vadd.s32 $0x4E20, v12;
	v18 =	vld.idx.msk [tilespmem:v13+s2+$0x0], $0xffff  }
0x46: {  	v10 =	vadd.s32 $0x7530, v10;
	v19 =	vld.idx.msk [tilespmem:v14+s2+$0x0], $0xffff  }
0x47: {  	v22 =	vadd.s32 $0x2710, v12;
	v20 =	vld.idx.msk [tilespmem:v15+s2+$0x0], $0xffff  }
0x48: {  	v13 =	vadd.s32 $0x2710, v11;
	v15 =	vld.idx.msk [tilespmem:v16+s2+$0x0], $0xffff  }
0x49: {  	v21 =	vadd.s32 $0x4E20, v11;
	v16 =	vld.idx.msk [tilespmem:v17+s2+$0x0], $0xffff  }
0x4a: {  	v24 =	vadd.s32 $0x7530, v12;
	v11 =	vadd.s32 $0x7530, v11;
	v12 =	vld.idx.msk [tilespmem:v25+s2+$0x0], $0xffff  }
0x4b: {  	v17 =	vld.idx.msk [tilespmem:v10+s2+$0x0], $0xffff  }
0x4c: {  	v10 =	vld.idx.msk [tilespmem:v22+s2+$0x0], $0xffff  }
0x4d: {  	v23 =	vadd.s32 $0x2710, v7;
	v14 =	vld.idx.msk [tilespmem:v13+s2+$0x0], $0xffff  }
0x4e: {  	v13 =	vld.idx.msk [tilespmem:v21+s2+$0x0], $0xffff;
	v21 =	vadd.s32 $0x4E20, v7  }
0x4f: {  	s29 =	simm.s32 $0x100;
	v22 =	vadd.s32 $0x7530, v7;
	v11 =	vld.idx.msk [tilespmem:v11+s2+$0x0], $0xffff  }
.LBB2_7:
0x50: {  	p0 =	sne.s32 s29, $0x6300;
	v24 =	vld.idx.msk [tilespmem:v24+s2+$0x0], $0xffff  }
0x51: {  	[tilespmem:v7+s19+$0x0] =	vst.idx.add.f32.msk $0xffff, v9;
	v7 =	vadd.s32 $0x2710, v5  }
0x52: {  	v9 =	vadd.s32 $0x4E20, v5;
	[tilespmem:v23+s19+$0x0] =	vst.idx.add.f32.msk $0xffff, v18  }
0x53: {  	v18 =	vadd.s32 $0x7530, v5;
	[tilespmem:v21+s19+$0x0] =	vst.idx.add.f32.msk $0xffff, v19  }
0x54: {  	[tilespmem:v22+s19+$0x0] =	vst.idx.add.f32.msk $0xffff, v20  }
0x55: {  	[tilespmem:v5+s19+$0x0] =	vst.idx.add.f32.msk $0xffff, v8;
	v5 =	vadd.s32 $0x2710, v3  }
0x56: {  	[tilespmem:v7+s19+$0x0] =	vst.idx.add.f32.msk $0xffff, v15;
	v7 =	vadd.s32 $0x4E20, v3  }
0x57: {  	v8 =	vadd.s32 $0x7530, v3;
	[tilespmem:v9+s19+$0x0] =	vst.idx.add.f32.msk $0xffff, v16  }
0x58: {  	[tilespmem:v18+s19+$0x0] =	vst.idx.add.f32.msk $0xffff, v17  }
0x59: {  	[tilespmem:v3+s19+$0x0] =	vst.idx.add.f32.msk $0xffff, v6;
	v3 =	vadd.s32 $0x2710, v2  }
0x5a: {  	[tilespmem:v5+s19+$0x0] =	vst.idx.add.f32.msk $0xffff, v14;
	v5 =	vadd.s32 $0x4E20, v2  }
0x5b: {  	v6 =	vadd.s32 $0x7530, v2;
	[tilespmem:v7+s19+$0x0] =	vst.idx.add.f32.msk $0xffff, v13  }
0x5c: {  	[tilespmem:v8+s19+$0x0] =	vst.idx.add.f32.msk $0xffff, v11  }
0x5d: {  	[tilespmem:v2+s19+$0x0] =	vst.idx.add.f32.msk $0xffff, v4  }
0x5e: {  	[tilespmem:v3+s19+$0x0] =	vst.idx.add.f32.msk $0xffff, v10  }
0x5f: {  	[tilespmem:v5+s19+$0x0] =	vst.idx.add.f32.msk $0xffff, v12  }
0x60: {  	s0 =	sshra.s32 s29, $0x2;
	[tilespmem:v6+s19+$0x0] =	vst.idx.add.f32.msk $0xffff, v24  }
0x61: {  	v4 =	vld [tilespmem:s0+$0x13900]  }
0x62: {  	v10 =	vld [tilespmem:s0+$0x13910]  }
0x63: {  	v11 =	vld [tilespmem:s0+$0x13920]  }
0x64: {  	v12 =	vld [tilespmem:s0+$0x13930]  }
0x65: {  	v7 =	vld [tilespmem:s0+$0x15200]  }
0x66: {  	v5 =	vld [tilespmem:s0+$0x15210]  }
0x67: {  	v3 =	vld [tilespmem:s0+$0x15220]  }
0x68: {  	v13 =	vadd.s32 $0x2710, v4;
	v2 =	vld [tilespmem:s0+$0x15230]  }
0x69: {  	v14 =	vadd.s32 $0x4E20, v4;
	v9 =	vld.idx.msk [tilespmem:v4+s2+$0x0], $0xffff  }
0x6a: {  	v15 =	vadd.s32 $0x7530, v4;
	v8 =	vld.idx.msk [tilespmem:v10+s2+$0x0], $0xffff  }
0x6b: {  	v16 =	vadd.s32 $0x2710, v10;
	v6 =	vld.idx.msk [tilespmem:v11+s2+$0x0], $0xffff  }
0x6c: {  	v17 =	vadd.s32 $0x4E20, v10;
	v4 =	vld.idx.msk [tilespmem:v12+s2+$0x0], $0xffff  }
0x6d: {  	v10 =	vadd.s32 $0x7530, v10;
	v18 =	vld.idx.msk [tilespmem:v13+s2+$0x0], $0xffff  }
0x6e: {  	v13 =	vadd.s32 $0x2710, v11;
	v19 =	vld.idx.msk [tilespmem:v14+s2+$0x0], $0xffff  }
0x6f: {  	v21 =	vadd.s32 $0x4E20, v11;
	v20 =	vld.idx.msk [tilespmem:v15+s2+$0x0], $0xffff  }
0x70: {  	v11 =	vadd.s32 $0x7530, v11;
	v15 =	vld.idx.msk [tilespmem:v16+s2+$0x0], $0xffff  }
0x71: {  	v22 =	vadd.s32 $0x2710, v12;
	v16 =	vld.idx.msk [tilespmem:v17+s2+$0x0], $0xffff  }
0x72: {  	v25 =	vadd.s32 $0x4E20, v12;
	v17 =	vld.idx.msk [tilespmem:v10+s2+$0x0], $0xffff  }
.Ltmp2:
0x73: {  	v24 =	vadd.s32 $0x7530, v12;
	v14 =	vld.idx.msk [tilespmem:v13+s2+$0x0], $0xffff;
	(pc) =	sbr.rel @p0 .LBB2_7-.Ltmp2, $4  }
0x74: {  	v13 =	vld.idx.msk [tilespmem:v21+s2+$0x0], $0xffff  }
0x75: {  	v23 =	vadd.s32 $0x2710, v7;
	v11 =	vld.idx.msk [tilespmem:v11+s2+$0x0], $0xffff  }
0x76: {  	v21 =	vadd.s32 $0x4E20, v7;
	v10 =	vld.idx.msk [tilespmem:v22+s2+$0x0], $0xffff  }
0x77: {  	s29 =	sadd.s32 $0x100, s29;
	v22 =	vadd.s32 $0x7530, v7;
	v12 =	vld.idx.msk [tilespmem:v25+s2+$0x0], $0xffff  }
0x78: {  	_ =	sdelay $0x3  }
0x79: {  	v24 =	vld.idx.msk [tilespmem:v24+s2+$0x0], $0xffff  }
0x7a: {  	[tilespmem:v7+s19+$0x0] =	vst.idx.add.f32.msk $0xffff, v9;
	v7 =	vadd.s32 $0x2710, v5  }
0x7b: {  	v9 =	vadd.s32 $0x4E20, v5;
	[tilespmem:v23+s19+$0x0] =	vst.idx.add.f32.msk $0xffff, v18  }
0x7c: {  	v18 =	vadd.s32 $0x7530, v5;
	[tilespmem:v21+s19+$0x0] =	vst.idx.add.f32.msk $0xffff, v19  }
0x7d: {  	[tilespmem:v22+s19+$0x0] =	vst.idx.add.f32.msk $0xffff, v20  }
0x7e: {  	[tilespmem:v5+s19+$0x0] =	vst.idx.add.f32.msk $0xffff, v8;
	v5 =	vadd.s32 $0x2710, v3  }
0x7f: {  	[tilespmem:v7+s19+$0x0] =	vst.idx.add.f32.msk $0xffff, v15;
	v7 =	vadd.s32 $0x4E20, v3  }
0x80: {  	v8 =	vadd.s32 $0x7530, v3;
	[tilespmem:v9+s19+$0x0] =	vst.idx.add.f32.msk $0xffff, v16  }
0x81: {  	[tilespmem:v18+s19+$0x0] =	vst.idx.add.f32.msk $0xffff, v17  }
0x82: {  	[tilespmem:v3+s19+$0x0] =	vst.idx.add.f32.msk $0xffff, v6;
	v3 =	vadd.s32 $0x2710, v2  }
0x83: {  	[tilespmem:v5+s19+$0x0] =	vst.idx.add.f32.msk $0xffff, v14;
	v5 =	vadd.s32 $0x4E20, v2  }
0x84: {  	p0 =	seq.s32 s28, $0x18;
	v6 =	vadd.s32 $0x7530, v2;
	[tilespmem:v7+s19+$0x0] =	vst.idx.add.f32.msk $0xffff, v13  }
0x85: {  	s0 =	smul.u32 @!p0 $0x3200, s28;
	[tilespmem:v8+s19+$0x0] =	vst.idx.add.f32.msk $0xffff, v11  }
0x86: {  	[tilespmem:v2+s19+$0x0] =	vst.idx.add.f32.msk $0xffff, v4  }
0x87: {  	s0 =	sshrl.u32 @!p0 s0, $0x3;
	[tilespmem:v3+s19+$0x0] =	vst.idx.add.f32.msk $0xffff, v10  }
0x88: {  	s0 =	sadd.s32 @!p0 $0x640, s0;
	[tilespmem:v5+s19+$0x0] =	vst.idx.add.f32.msk $0xffff, v12  }
0x89: {  	s29 =	simm.s32 @!p0 $0x0;
	s30 =	simm.s32 @!p0 $0x13900;
	s1 =	sadd.s32 @!p0 s3, s0;
	[tilespmem:v6+s19+$0x0] =	vst.idx.add.f32.msk $0xffff, v24  }
0x8a: {  	[tilespmem:s30], [sflag:$0x1] =	stream.linear.gather @!p0 [hbm4b:s1+s29], $0x1900, $0x38;
	[tilespmem:$0x1EC00] =	vst v63  }
0x8b: {  	s0 =	sadd.s32 @!p0 s4, s0;
	s1 =	simm.s32 @!p0 $0x15200  }
0x8c: {  	[tilespmem:s1], [sflag:$0x2] =	stream.linear.gather @!p0 [hbm4b:s0+s29], $0x1900, $0x38;
	[tilespmem:$0x1EC00] =	vst v63  }
0x8d: {  	_ =	swait.ge [sflag:s20], $0x1900  }
0x8e: {  	[sflag:s20] =	ssyncset.done $0x0  }
0x8f: {  	[sflag:s20] =	ssyncadd.s32 $0xFFFFE700  }
0x90: {  	_ =	swait.ge [sflag:s21], $0x1900  }
0x91: {  	[sflag:s21] =	ssyncset.done $0x0  }
0x92: {  	s31 =	simm.s32 $0x0;
	[sflag:s21] =	ssyncadd.s32 $0xFFFFE700  }
0x93: {  	v4 =	vld [tilespmem:s31+$0x16B00]  }
0x94: {  	v10 =	vld [tilespmem:s31+$0x16B10]  }
0x95: {  	v11 =	vld [tilespmem:s31+$0x16B20]  }
0x96: {  	v13 =	vld [tilespmem:s31+$0x16B30]  }
0x97: {  	v7 =	vld [tilespmem:s31+$0x18400]  }
0x98: {  	v5 =	vld [tilespmem:s31+$0x18410]  }
0x99: {  	v3 =	vld [tilespmem:s31+$0x18420]  }
0x9a: {  	v2 =	vld [tilespmem:s31+$0x18430];
	v12 =	vadd.s32 $0x2710, v4  }
0x9b: {  	v14 =	vadd.s32 $0x4E20, v4;
	v9 =	vld.idx.msk [tilespmem:v4+s2+$0x0], $0xffff  }
0x9c: {  	v15 =	vadd.s32 $0x7530, v4;
	v8 =	vld.idx.msk [tilespmem:v10+s2+$0x0], $0xffff  }
0x9d: {  	v16 =	vadd.s32 $0x2710, v10;
	v6 =	vld.idx.msk [tilespmem:v11+s2+$0x0], $0xffff  }
0x9e: {  	v17 =	vadd.s32 $0x4E20, v10;
	v4 =	vld.idx.msk [tilespmem:v13+s2+$0x0], $0xffff  }
0x9f: {  	v25 =	vadd.s32 $0x4E20, v13;
	v18 =	vld.idx.msk [tilespmem:v12+s2+$0x0], $0xffff  }
0xa0: {  	v10 =	vadd.s32 $0x7530, v10;
	v19 =	vld.idx.msk [tilespmem:v14+s2+$0x0], $0xffff  }
0xa1: {  	v22 =	vadd.s32 $0x2710, v13;
	v20 =	vld.idx.msk [tilespmem:v15+s2+$0x0], $0xffff  }
0xa2: {  	v12 =	vadd.s32 $0x2710, v11;
	v15 =	vld.idx.msk [tilespmem:v16+s2+$0x0], $0xffff  }
0xa3: {  	v21 =	vadd.s32 $0x4E20, v11;
	v16 =	vld.idx.msk [tilespmem:v17+s2+$0x0], $0xffff  }
0xa4: {  	v24 =	vadd.s32 $0x7530, v13;
	v11 =	vadd.s32 $0x7530, v11;
	v13 =	vld.idx.msk [tilespmem:v25+s2+$0x0], $0xffff  }
0xa5: {  	v17 =	vld.idx.msk [tilespmem:v10+s2+$0x0], $0xffff  }
0xa6: {  	v10 =	vld.idx.msk [tilespmem:v22+s2+$0x0], $0xffff  }
0xa7: {  	v23 =	vadd.s32 $0x2710, v7;
	v14 =	vld.idx.msk [tilespmem:v12+s2+$0x0], $0xffff  }
0xa8: {  	v12 =	vld.idx.msk [tilespmem:v21+s2+$0x0], $0xffff;
	v21 =	vadd.s32 $0x4E20, v7  }
0xa9: {  	s29 =	simm.s32 $0x100;
	v22 =	vadd.s32 $0x7530, v7;
	v11 =	vld.idx.msk [tilespmem:v11+s2+$0x0], $0xffff  }
.LBB2_9:
0xaa: {  	p1 =	sne.s32 s29, $0x6300;
	v24 =	vld.idx.msk [tilespmem:v24+s2+$0x0], $0xffff  }
0xab: {  	[tilespmem:v7+s19+$0x0] =	vst.idx.add.f32.msk $0xffff, v9;
	v7 =	vadd.s32 $0x2710, v5  }
0xac: {  	v9 =	vadd.s32 $0x4E20, v5;
	[tilespmem:v23+s19+$0x0] =	vst.idx.add.f32.msk $0xffff, v18  }
0xad: {  	v18 =	vadd.s32 $0x7530, v5;
	[tilespmem:v21+s19+$0x0] =	vst.idx.add.f32.msk $0xffff, v19  }
0xae: {  	[tilespmem:v22+s19+$0x0] =	vst.idx.add.f32.msk $0xffff, v20  }
0xaf: {  	[tilespmem:v5+s19+$0x0] =	vst.idx.add.f32.msk $0xffff, v8;
	v5 =	vadd.s32 $0x2710, v3  }
0xb0: {  	[tilespmem:v7+s19+$0x0] =	vst.idx.add.f32.msk $0xffff, v15;
	v7 =	vadd.s32 $0x4E20, v3  }
0xb1: {  	v8 =	vadd.s32 $0x7530, v3;
	[tilespmem:v9+s19+$0x0] =	vst.idx.add.f32.msk $0xffff, v16  }
0xb2: {  	[tilespmem:v18+s19+$0x0] =	vst.idx.add.f32.msk $0xffff, v17  }
0xb3: {  	[tilespmem:v3+s19+$0x0] =	vst.idx.add.f32.msk $0xffff, v6;
	v3 =	vadd.s32 $0x2710, v2  }
0xb4: {  	[tilespmem:v5+s19+$0x0] =	vst.idx.add.f32.msk $0xffff, v14;
	v5 =	vadd.s32 $0x4E20, v2  }
0xb5: {  	v6 =	vadd.s32 $0x7530, v2;
	[tilespmem:v7+s19+$0x0] =	vst.idx.add.f32.msk $0xffff, v12  }
0xb6: {  	[tilespmem:v8+s19+$0x0] =	vst.idx.add.f32.msk $0xffff, v11  }
0xb7: {  	[tilespmem:v2+s19+$0x0] =	vst.idx.add.f32.msk $0xffff, v4  }
0xb8: {  	[tilespmem:v3+s19+$0x0] =	vst.idx.add.f32.msk $0xffff, v10  }
0xb9: {  	[tilespmem:v5+s19+$0x0] =	vst.idx.add.f32.msk $0xffff, v13  }
0xba: {  	s0 =	sshra.s32 s29, $0x2;
	[tilespmem:v6+s19+$0x0] =	vst.idx.add.f32.msk $0xffff, v24  }
0xbb: {  	v4 =	vld [tilespmem:s0+$0x16B00]  }
0xbc: {  	v10 =	vld [tilespmem:s0+$0x16B10]  }
0xbd: {  	v11 =	vld [tilespmem:s0+$0x16B20]  }
0xbe: {  	v12 =	vld [tilespmem:s0+$0x16B30]  }
0xbf: {  	v7 =	vld [tilespmem:s0+$0x18400]  }
0xc0: {  	v5 =	vld [tilespmem:s0+$0x18410]  }
0xc1: {  	v3 =	vld [tilespmem:s0+$0x18420]  }
0xc2: {  	v13 =	vadd.s32 $0x2710, v4;
	v2 =	vld [tilespmem:s0+$0x18430]  }
0xc3: {  	v14 =	vadd.s32 $0x4E20, v4;
	v9 =	vld.idx.msk [tilespmem:v4+s2+$0x0], $0xffff  }
0xc4: {  	v15 =	vadd.s32 $0x7530, v4;
	v8 =	vld.idx.msk [tilespmem:v10+s2+$0x0], $0xffff  }
0xc5: {  	v16 =	vadd.s32 $0x2710, v10;
	v6 =	vld.idx.msk [tilespmem:v11+s2+$0x0], $0xffff  }
0xc6: {  	v17 =	vadd.s32 $0x4E20, v10;
	v4 =	vld.idx.msk [tilespmem:v12+s2+$0x0], $0xffff  }
0xc7: {  	v10 =	vadd.s32 $0x7530, v10;
	v18 =	vld.idx.msk [tilespmem:v13+s2+$0x0], $0xffff  }
0xc8: {  	v13 =	vadd.s32 $0x2710, v11;
	v19 =	vld.idx.msk [tilespmem:v14+s2+$0x0], $0xffff  }
0xc9: {  	v21 =	vadd.s32 $0x4E20, v11;
	v20 =	vld.idx.msk [tilespmem:v15+s2+$0x0], $0xffff  }
0xca: {  	v11 =	vadd.s32 $0x7530, v11;
	v15 =	vld.idx.msk [tilespmem:v16+s2+$0x0], $0xffff  }
0xcb: {  	v22 =	vadd.s32 $0x2710, v12;
	v16 =	vld.idx.msk [tilespmem:v17+s2+$0x0], $0xffff  }
0xcc: {  	v25 =	vadd.s32 $0x4E20, v12;
	v17 =	vld.idx.msk [tilespmem:v10+s2+$0x0], $0xffff  }
.Ltmp3:
0xcd: {  	v24 =	vadd.s32 $0x7530, v12;
	v14 =	vld.idx.msk [tilespmem:v13+s2+$0x0], $0xffff;
	(pc) =	sbr.rel @p1 .LBB2_9-.Ltmp3, $4  }
0xce: {  	v12 =	vld.idx.msk [tilespmem:v21+s2+$0x0], $0xffff  }
0xcf: {  	v23 =	vadd.s32 $0x2710, v7;
	v11 =	vld.idx.msk [tilespmem:v11+s2+$0x0], $0xffff  }
0xd0: {  	v21 =	vadd.s32 $0x4E20, v7;
	v10 =	vld.idx.msk [tilespmem:v22+s2+$0x0], $0xffff  }
0xd1: {  	s29 =	sadd.s32 $0x100, s29;
	v22 =	vadd.s32 $0x7530, v7;
	v13 =	vld.idx.msk [tilespmem:v25+s2+$0x0], $0xffff  }
0xd2: {  	_ =	sdelay $0x3  }
0xd3: {  	v24 =	vld.idx.msk [tilespmem:v24+s2+$0x0], $0xffff  }
0xd4: {  	[tilespmem:v7+s19+$0x0] =	vst.idx.add.f32.msk $0xffff, v9;
	v56 =	vadd.s32 $0x2710, v5  }
0xd5: {  	v57 =	vadd.s32 $0x4E20, v5;
	[tilespmem:v23+s19+$0x0] =	vst.idx.add.f32.msk $0xffff, v18  }
0xd6: {  	v58 =	vadd.s32 $0x7530, v5;
	[tilespmem:v21+s19+$0x0] =	vst.idx.add.f32.msk $0xffff, v19  }
0xd7: {  	[tilespmem:v22+s19+$0x0] =	vst.idx.add.f32.msk $0xffff, v20  }
0xd8: {  	v59 =	vadd.s32 $0x2710, v3;
	[tilespmem:v5+s19+$0x0] =	vst.idx.add.f32.msk $0xffff, v8  }
0xd9: {  	v60 =	vadd.s32 $0x4E20, v3;
	[tilespmem:v56+s19+$0x0] =	vst.idx.add.f32.msk $0xffff, v15  }
0xda: {  	v61 =	vadd.s32 $0x7530, v3;
	[tilespmem:v57+s19+$0x0] =	vst.idx.add.f32.msk $0xffff, v16  }
0xdb: {  	[tilespmem:v58+s19+$0x0] =	vst.idx.add.f32.msk $0xffff, v17  }
0xdc: {  	[tilespmem:v3+s19+$0x0] =	vst.idx.add.f32.msk $0xffff, v6;
	v3 =	vadd.s32 $0x2710, v2  }
0xdd: {  	v62 =	vadd.s32 $0x4E20, v2;
	[tilespmem:v59+s19+$0x0] =	vst.idx.add.f32.msk $0xffff, v14  }
0xde: {  	v63 =	vadd.s32 $0x7530, v2;
	[tilespmem:v60+s19+$0x0] =	vst.idx.add.f32.msk $0xffff, v12  }
.Ltmp4:
0xdf: {  	[tilespmem:v61+s19+$0x0] =	vst.idx.add.f32.msk $0xffff, v11;
	(pc) =	sbr.rel @p0 .LBB2_12-.Ltmp4, $4  }
0xe0: {  	[tilespmem:v2+s19+$0x0] =	vst.idx.add.f32.msk $0xffff, v4  }
0xe1: {  	[tilespmem:v3+s19+$0x0] =	vst.idx.add.f32.msk $0xffff, v10  }
0xe2: {  	[tilespmem:v62+s19+$0x0] =	vst.idx.add.f32.msk $0xffff, v13  }
0xe3: {  	[tilespmem:v63+s19+$0x0] =	vst.idx.add.f32.msk $0xffff, v24  }
0xe4: {  	s0 =	smul.u32 $0x3200, s28;
	_ =	sdelay $0x1  }
0xe5: {  	s0 =	sshrl.u32 s0, $0x3  }
.Ltmp5:
0xe6: {  	s0 =	sadd.s32 $0x960, s0;
	(pc) =	sbr.rel .LBB2_6-.Ltmp5, $4  }
0xe7: {  	s1 =	sadd.s32 s3, s0  }
0xe8: {  	[tilespmem:s15], [sflag:$0x3] =	stream.linear.gather [hbm4b:s1+s2], $0x1900, $0x38;
	[tilespmem:$0x1EC00] =	vst v63  }
0xe9: {  	s28 =	sadd.s32 $0x1, s28;
	s0 =	sadd.s32 s4, s0  }
0xea: {  	[tilespmem:s16], [sflag:$0x4] =	stream.linear.gather [hbm4b:s0+s2], $0x1900, $0x38;
	[tilespmem:$0x1EC00] =	vst v63  }
.LBB2_12:
0xeb: {  	s0 =	simm.s32 $0x0  }
0xec: {  	[hbm4b:s8+s0] =	stream.linear.scatter [tilespmem:s19], [sflag:$0x5], $0x9C40, $0x38;
	[tilespmem:$0x1EC00] =	vst v63  }
0xed: {  	_ =	swait.ge [sflag:s12], $0x9C40  }
0xee: {  	[sflag:s12] =	ssyncset.done $0x0  }
0xef: {  	[sflag:s12] =	ssyncadd.s32 $0xFFFF63C0  }
0xf0: {  	[tilespmem:s22], [sflag:$0x5] =	stream.linear.gather [hbm4b:s9+s0], $0x2710, $0x38;
	[tilespmem:$0x1EC00] =	vst v63  }
0xf1: {  	_ =	swait.ge [sflag:s12], $0x2710  }
0xf2: {  	[sflag:s12] =	ssyncset.done $0x0  }
0xf3: {  	s13 =	simm.s32 $0x0;
	[sflag:s12] =	ssyncadd.s32 $0xFFFFD8F0  }
0xf4: {  	v2 =	vld [tilespmem:s13+$0x1C480];
	_ =	sdelay $0x5  }
0xf5: {  	s28 =	simm.s32 $0x50  }
0xf6: {  	v3 =	vld [tilespmem:s28+$0x1C480]  }
0xf7: {  	[tilespmem:v2+s23+$0x0] =	vst.idx.add.f32.msk $0xffff, v1  }
0xf8: {  	v2 =	vld [tilespmem:s13+$0x1C490];
	_ =	sdelay $0x3  }
0xf9: {  	s29 =	simm.s32 $0xA0  }
0xfa: {  	v4 =	vld [tilespmem:s29+$0x1C480]  }
0xfb: {  	[tilespmem:v3+s23+$0x0] =	vst.idx.add.f32.msk $0xffff, v1  }
0xfc: {  	v3 =	vld [tilespmem:s28+$0x1C490]  }
0xfd: {  	[tilespmem:v2+s23+$0x0] =	vst.idx.add.f32.msk $0xffff, v1  }
0xfe: {  	v2 =	vld [tilespmem:s13+$0x1C4A0];
	_ =	sdelay $0x1  }
0xff: {  	s30 =	simm.s32 $0xF0  }
0x100: {  	v5 =	vld [tilespmem:s30+$0x1C480]  }
0x101: {  	[tilespmem:v4+s23+$0x0] =	vst.idx.add.f32.msk $0xffff, v1  }
0x102: {  	v4 =	vld [tilespmem:s29+$0x1C490]  }
0x103: {  	[tilespmem:v3+s23+$0x0] =	vst.idx.add.f32.msk $0xffff, v1  }
0x104: {  	v3 =	vld [tilespmem:s28+$0x1C4A0]  }
0x105: {  	[tilespmem:v2+s23+$0x0] =	vst.idx.add.f32.msk $0xffff, v1  }
0x106: {  	v2 =	vld [tilespmem:s13+$0x1C4B0]  }
0x107: {  	s31 =	simm.s32 $0x140  }
0x108: {  	v6 =	vld [tilespmem:s31+$0x1C480]  }
0x109: {  	[tilespmem:v5+s23+$0x0] =	vst.idx.add.f32.msk $0xffff, v1  }
0x10a: {  	v7 =	vld [tilespmem:s30+$0x1C490]  }
0x10b: {  	[tilespmem:v4+s23+$0x0] =	vst.idx.add.f32.msk $0xffff, v1  }
0x10c: {  	v8 =	vld [tilespmem:s29+$0x1C4A0]  }
0x10d: {  	[tilespmem:v3+s23+$0x0] =	vst.idx.add.f32.msk $0xffff, v1  }
0x10e: {  	[tilespmem:v2+s23+$0x0] =	vst.idx.add.f32.msk $0xffff, v1  }
0x10f: {  	v2 =	vld [tilespmem:s13+$0x1C4C0]  }
0x110: {  	s0 =	simm.s32 $0x190;
	v3 =	vld [tilespmem:s28+$0x1C4B0]  }
0x111: {  	v5 =	vld [tilespmem:s0+$0x1C480]  }
0x112: {  	[tilespmem:v6+s23+$0x0] =	vst.idx.add.f32.msk $0xffff, v1  }
0x113: {  	v6 =	vld [tilespmem:s31+$0x1C490]  }
0x114: {  	[tilespmem:v7+s23+$0x0] =	vst.idx.add.f32.msk $0xffff, v1  }
0x115: {  	v4 =	vld [tilespmem:s30+$0x1C4A0]  }
0x116: {  	s1 =	simm.s32 $0x780;
	[tilespmem:v8+s23+$0x0] =	vst.idx.add.f32.msk $0xffff, v1  }
.LBB2_13:
0x117: {  	s13 =	sshra.s32 s1, $0x2;
	p0 =	sne.s32 s1, $0x9B00;
	s1 =	sadd.s32 $0x140, s1;
	[tilespmem:v2+s23+$0x0] =	vst.idx.add.f32.msk $0xffff, v1  }
0x118: {  	[tilespmem:v3+s23+$0x0] =	vst.idx.add.f32.msk $0xffff, v1;
	v7 =	vmov v6  }
0x119: {  	v2 =	vld [tilespmem:s28+$0x1C4C0];
	s28 =	smov.u32 s29;
	s29 =	smov.u32 s30;
	s30 =	smov.u32 s31  }
0x11a: {  	s31 =	smov.u32 s0;
	s0 =	smov.u32 s13;
	v3 =	vld [tilespmem:s28+$0x1C4B0];
	v8 =	vmov v4  }
0x11b: {  	v9 =	vld [tilespmem:s0+$0x1C480]  }
.Ltmp6:
0x11c: {  	[tilespmem:v5+s23+$0x0] =	vst.idx.add.f32.msk $0xffff, v1;
	(pc) =	sbr.rel @p0 .LBB2_13-.Ltmp6, $4  }
0x11d: {  	v6 =	vld [tilespmem:s31+$0x1C490]  }
0x11e: {  	[tilespmem:v7+s23+$0x0] =	vst.idx.add.f32.msk $0xffff, v1  }
0x11f: {  	v4 =	vld [tilespmem:s30+$0x1C4A0]  }
0x120: {  	[tilespmem:v8+s23+$0x0] =	vst.idx.add.f32.msk $0xffff, v1;
	v5 =	vmov v9  }
0x121: {  	_ =	sdelay $0x3  }
0x122: {  	[tilespmem:v5+s23+$0x0] =	vst.idx.add.f32.msk $0xffff, v1  }
0x123: {  	v5 =	vld [tilespmem:s0+$0x1C490];
	_ =	sdelay $0x5  }
0x124: {  	[tilespmem:v6+s23+$0x0] =	vst.idx.add.f32.msk $0xffff, v1  }
0x125: {  	v6 =	vld [tilespmem:s31+$0x1C4A0]  }
0x126: {  	[tilespmem:v5+s23+$0x0] =	vst.idx.add.f32.msk $0xffff, v1  }
0x127: {  	v5 =	vld [tilespmem:s0+$0x1C4A0];
	_ =	sdelay $0x1  }
0x128: {  	[tilespmem:v3+s23+$0x0] =	vst.idx.add.f32.msk $0xffff, v1  }
0x129: {  	v3 =	vld [tilespmem:s29+$0x1C4B0]  }
0x12a: {  	[tilespmem:v4+s23+$0x0] =	vst.idx.add.f32.msk $0xffff, v1  }
0x12b: {  	v4 =	vld [tilespmem:s30+$0x1C4B0]  }
0x12c: {  	[tilespmem:v6+s23+$0x0] =	vst.idx.add.f32.msk $0xffff, v1  }
0x12d: {  	v6 =	vld [tilespmem:s31+$0x1C4B0]  }
0x12e: {  	[tilespmem:v5+s23+$0x0] =	vst.idx.add.f32.msk $0xffff, v1  }
0x12f: {  	v5 =	vld [tilespmem:s0+$0x1C4B0]  }
0x130: {  	v7 =	vld [tilespmem:s28+$0x1C4C0]  }
0x131: {  	[tilespmem:v3+s23+$0x0] =	vst.idx.add.f32.msk $0xffff, v1  }
0x132: {  	v3 =	vld [tilespmem:s29+$0x1C4C0]  }
0x133: {  	[tilespmem:v4+s23+$0x0] =	vst.idx.add.f32.msk $0xffff, v1  }
0x134: {  	v4 =	vld [tilespmem:s30+$0x1C4C0]  }
0x135: {  	[tilespmem:v6+s23+$0x0] =	vst.idx.add.f32.msk $0xffff, v1  }
0x136: {  	v6 =	vld [tilespmem:s31+$0x1C4C0]  }
0x137: {  	[tilespmem:v5+s23+$0x0] =	vst.idx.add.f32.msk $0xffff, v1  }
0x138: {  	v5 =	vld [tilespmem:s0+$0x1C4C0];
	_ =	sdelay $0x2  }
0x139: {  	[tilespmem:v2+s23+$0x0] =	vst.idx.add.f32.msk $0xffff, v1  }
0x13a: {  	[tilespmem:v7+s23+$0x0] =	vst.idx.add.f32.msk $0xffff, v1  }
0x13b: {  	[tilespmem:v3+s23+$0x0] =	vst.idx.add.f32.msk $0xffff, v1  }
0x13c: {  	s26 =	sadd.s32 $0x1, s26;
	[tilespmem:v4+s23+$0x0] =	vst.idx.add.f32.msk $0xffff, v1  }
0x13d: {  	p0 =	sne.s32 s26, s11;
	[tilespmem:v6+s23+$0x0] =	vst.idx.add.f32.msk $0xffff, v1  }
.Ltmp7:
0x13e: {  	[tilespmem:v5+s23+$0x0] =	vst.idx.add.f32.msk $0xffff, v1;
	(pc) =	sbr.rel @p0 .LBB2_1-.Ltmp7, $4  }
0x13f: {  	[hbm4b:s10+s24] =	stream.strided.scatter [tilespmem:s23], [sflag:$0x5], $0x2780, s25, s24, $0x38;
	[tilespmem:$0x1EC00] =	vst v63  }
0x140: {  	_ =	swait.ge [sflag:s12], $0x2780  }
0x141: {  	[sflag:s12] =	ssyncset.done $0x0  }
0x142: {  	[sflag:s12] =	ssyncadd.s32 $0xFFFFD880  }
0x143: {  	_ =	sfence.sel $0x180000  }
0x144: {  	[bflag:$0x0] =	sbarrier.arrive $0xFFFF  }
0x145: {  	_ =	strace $0x90000047  }
0x146: {  	s0 =	stileid.u32;
	[bflag:$0x2] =	sbarrier.arrive $0xFFFF  }
0x147: {  	p0 =	sne.s32 s0, $0x0;
	s0 =	rddreg [dreg:$0x2]  }
0x148: {  	s0 =	sadd.s32 @!p0 $0x100000, s0  }
0x149: {  	[sflag:s0] =	ssyncadd.tile.s32 @!p0 $0x1;
	_ =	shalt  }
.Lfunc_end2:
_tile_overlayer_lowered:
.L_overlay_start_2:
0x14a: {  	(tag) =	ssettag $0x2  }
0x14b: {  	s0 =	rddreg [dreg:$0x0];
	s2 =	stileid.u32  }
0x14c: {  	s1 =	rddreg [dreg:$0x1];
	p0 =	sne.s32 s2, $0x0  }
0x14d: {  	s3 =	rddreg [dreg:$0x2];
	[bflag:$0x3] =	sbarrier.arrive $0xFFFF;
	s2 =	simm.s32 @!p0 $0x1C05  }
0x14e: {  	[timem:s3], [sflag:s2] =	dma.local @!p0 [hbm:s0], s1  }
0x14f: {  	s0 =	simm.s32 @!p0 $0x5  }
0x150: {  	_ =	swait.ge @!p0 [sflag:s0], s1  }
0x151: {  	s1 =	ssub.s32 @!p0 $0x0, s1;
	[sflag:s0] =	ssyncset.done @!p0 $0x0  }
0x152: {  	[sflag:s0] =	ssyncadd.s32 @!p0 s1  }
0x153: {  	[bflag:$0x3] =	sbarrier.arrive $0xFFFF  }
0x154: {  	_ =	shalt  }

</sc_bundles>
